<compile_context>
chip_gen: v7x
topology: tpu7x:2x2x1
jax: 0.10.2.dev20260603
libtpu: 0.0.44.dev20260713+nightly
codegen_flags: <defaults>
</compile_context>

<pallas_src>
import functools

import jax
import jax.numpy as jnp
from jax import lax
from jax.experimental import pallas as pl
from jax.experimental.pallas import tpu as pltpu
from jax.experimental.pallas import tpu_sc as plsc

H = 128
NS = 16
NC = 2
K = 64


def _table_body(h_ref, w_ref, b_ref, out_ref):
    out_ref[...] = (
        jnp.dot(h_ref[...], w_ref[0], preferred_element_type=jnp.float32)
        + b_ref[0]
    )


def _build_table(h_n, Wg, bg, block_rows):
    n, d = h_n.shape
    nb = n // block_rows
    return pl.pallas_call(
        _table_body,
        grid=(nb, 4),
        in_specs=[
            pl.BlockSpec((block_rows, d), lambda i, j: (i, 0)),
            pl.BlockSpec((1, d, H), lambda i, j: (j, 0, 0)),
            pl.BlockSpec((1, 1, H), lambda i, j: (j, 0, 0)),
        ],
        out_specs=pl.BlockSpec(
            (block_rows, H), lambda i, j, _nb=nb: (j * _nb + i, 0)
        ),
        out_shape=jax.ShapeDtypeStruct((4 * n, H), jnp.float32),
    )(h_n, Wg, bg)


def _final_body(h_ref, w_ref, b_ref, acc_ref, out_ref):
    x = (
        jnp.dot(h_ref[...], w_ref[0], preferred_element_type=jnp.float32)
        + b_ref[0]
        + acc_ref[0]
    )
    out_ref[...] = 0.5 * x * (1.0 + lax.erf(x * (2.0 ** -0.5)))


def _final(h_n, Wsg, bsg, acc, block_rows):
    n, d = h_n.shape
    nb = n // block_rows
    return pl.pallas_call(
        _final_body,
        grid=(nb, 2),
        in_specs=[
            pl.BlockSpec((block_rows, d), lambda i, j: (i, 0)),
            pl.BlockSpec((1, d, H), lambda i, j: (j, 0, 0)),
            pl.BlockSpec((1, 1, H), lambda i, j: (j, 0, 0)),
            pl.BlockSpec((1, block_rows, H), lambda i, j: (j, i, 0)),
        ],
        out_specs=pl.BlockSpec((block_rows, H), lambda i, j: (i, j)),
        out_shape=jax.ShapeDtypeStruct((n, d), jnp.float32),
    )(h_n, Wsg, bsg, acc)


CH_GRP = 20
NBUF = 5


def _make_sc_kernel(n, ngrp, acc_rows):
    rows_per_tile = acc_rows // NS
    mesh = plsc.VectorSubcoreMesh(core_axis_name="c", subcore_axis_name="s")

    @functools.partial(
        pl.kernel,
        out_type=jax.ShapeDtypeStruct((NC, acc_rows, H), jnp.float32),
        mesh=mesh,
        scratch_types=[
            pltpu.VMEM((CH_GRP, K), jnp.int32),
            pltpu.VMEM((CH_GRP, K), jnp.int32),
        ]
        + [pltpu.VMEM((K, H), jnp.float32) for _ in range(NBUF)]
        + [pltpu.VMEM_SHARED((acc_rows, H), jnp.float32)]
        + [pltpu.SemaphoreType.DMA for _ in range(NBUF)],
    )
    def sc_kernel(t_hbm, gi_hbm, si_hbm, out_hbm, gi_v, si_v, *rest):
        rows_bufs = rest[:NBUF]
        acc_sh = rest[NBUF]
        sems = rest[NBUF + 1:]
        c = lax.axis_index("c")
        s = lax.axis_index("s")

        rows = rows_bufs[0]

        @pl.loop(0, K)
        def _zero_row(r):
            @pl.loop(0, H // 16)
            def _zero_lane(q):
                rows[r, pl.ds(q * 16, 16)] = jnp.zeros((16,), jnp.float32)

        base = s * rows_per_tile
        done = 0
        while done < rows_per_tile:
            sz = min(K, rows_per_tile - done)
            pltpu.sync_copy(
                rows.at[pl.ds(0, sz)], acc_sh.at[pl.ds(base + done, sz)]
            )
            done += sz

        plsc.subcore_barrier()

        @pl.loop(0, ngrp)
        def _group(g):
            pltpu.sync_copy(gi_hbm.at[c, s, g], gi_v)
            pltpu.sync_copy(si_hbm.at[s, g], si_v)

            for b in range(NBUF - 1):
                pltpu.async_copy(t_hbm.at[gi_v.at[b]], rows_bufs[b], sems[b])

            @pl.loop(0, CH_GRP, step=NBUF)
            def _chunk(j):
                for b in range(NBUF):
                    jj = j + b
                    r, sm = rows_bufs[b], sems[b]
                    pltpu.make_async_copy(t_hbm.at[gi_v.at[jj]], r, sm).wait()
                    pltpu.sync_copy(r, acc_sh.at[si_v.at[jj]], add=True)

                    bn = (b + NBUF - 1) % NBUF

                    @pl.when(jj + NBUF - 1 < CH_GRP)
                    def _prefetch():
                        pltpu.async_copy(
                            t_hbm.at[gi_v.at[jj + NBUF - 1]],
                            rows_bufs[bn],
                            sems[bn],
                        )

        plsc.subcore_barrier()

        pltpu.sync_copy(
            acc_sh.at[pl.ds(base, rows_per_tile)],
            out_hbm.at[c, pl.ds(base, rows_per_tile)],
        )

    return sc_kernel


def kernel(h_n, edge_index, W_w, W_b, Wt_w, Wt_b, Ws_w, Ws_b):
    n, d = h_n.shape
    e = edge_index.shape[1]
    assert d == 2 * H

    src = edge_index[0].astype(jnp.int32)
    dst = edge_index[1].astype(jnp.int32)

    Wg = jnp.stack(
        [W_w.T[:, :H], Wt_w.T[:, :H], W_w.T[:, H:], Wt_w.T[:, H:]]
    )
    bg = jnp.stack([W_b[:H], Wt_b[:H], W_b[H:], Wt_b[H:]])[:, None, :]
    table = _build_table(h_n, Wg, bg, block_rows=2000)

    e2 = 2 * e
    ngrp = -(-e2 // (NS * CH_GRP * K))
    e2p = ngrp * CH_GRP * K * NS
    pad = e2p - e2

    gidx = jnp.concatenate([src, dst + n, jnp.zeros((pad,), jnp.int32)])
    sidx = jnp.concatenate([dst, src, jnp.full((pad,), n, jnp.int32)])

    acc_rows = -(-(n + 1) // (NS * 8)) * (NS * 8)
    gi2 = jnp.stack([gidx, gidx + 2 * n]).reshape(2, NS, ngrp, CH_GRP, K)
    si = sidx.reshape(NS, ngrp, CH_GRP, K)

    acc = _make_sc_kernel(n, ngrp, acc_rows)(table, gi2, si)

    Wsg = jnp.stack([Ws_w.T[:, :H], Ws_w.T[:, H:]])
    bsg = jnp.stack([Ws_b[:H], Ws_b[H:]])[:, None, :]
    return _final(h_n, Wsg, bsg, acc, block_rows=2000)

# --- scband reference (transcript-rebuilt; emitter-appended) ---
"""Pipeline reference for scband-bi-mpnnlayer-64390149702292 (READ-ONLY COPY).

The authoritative reference and input builder live on the scoring server;
editing this copy changes nothing except your own understanding.
"""

import jax, jax.numpy as jnp
import numpy as np

N = 10000
E = 160000
D = 256

def setup_inputs(seed: int = 0) -> dict:
    key = jax.random.key(seed)
    k1, k2, k3, k4, k5, k6, k7, k8 = jax.random.split(key, 8)
    h_n = jax.random.normal(k1, (N, D), dtype=jnp.float32)
    edge_index = jax.random.randint(k2, (2, E), 0, N, dtype=jnp.int64)
    s = 1.0 / np.sqrt(D)
    W_w = jax.random.uniform(k3, (D, D), minval=-s, maxval=s, dtype=jnp.float32)
    W_b = jax.random.uniform(k4, (D,), minval=-s, maxval=s, dtype=jnp.float32)
    Wt_w = jax.random.uniform(k5, (D, D), minval=-s, maxval=s, dtype=jnp.float32)
    Wt_b = jax.random.uniform(k6, (D,), minval=-s, maxval=s, dtype=jnp.float32)
    Ws_w = jax.random.uniform(k7, (D, D), minval=-s, maxval=s, dtype=jnp.float32)
    Ws_b = jax.random.uniform(k8, (D,), minval=-s, maxval=s, dtype=jnp.float32)
    return {"h_n": h_n, "edge_index": edge_index, "W_w": W_w, "W_b": W_b, "Wt_w": Wt_w, "Wt_b": Wt_b, "Ws_w": Ws_w, "Ws_b": Ws_b}

def reference(h_n, edge_index, W_w, W_b, Wt_w, Wt_b, Ws_w, Ws_b):
    # A is the binary adjacency built from edge_index: A[dst, src] = 1.
    # A @ X      -> segment_sum of X[src] grouped by dst
    # A_T @ X    -> segment_sum of X[dst] grouped by src
    src = edge_index[0]
    dst = edge_index[1]
    msg = h_n @ W_w.T + W_b          # self.W(h_n)
    agg = jax.ops.segment_sum(jnp.take(msg, src, axis=0), dst, num_segments=N)
    msg_t = h_n @ Wt_w.T + Wt_b      # self.W_trans(h_n)
    agg_t = jax.ops.segment_sum(jnp.take(msg_t, dst, axis=0), src, num_segments=N)
    h_self = h_n @ Ws_w.T + Ws_b     # self.W_self(h_n)
    h_out = agg + agg_t + h_self
    return jax.nn.gelu(h_out, approximate=False)

if __name__ == "__main__":
    import jax
    _d = setup_inputs()
    print(jax.jit(kernel)(*tuple(_d.values())))

</pallas_src>

<mosaic_0001>
#map = affine_map<(d0, d1) -> (0, 0)>
#map1 = affine_map<(d0, d1) -> (0, 0, 0, 0, 0)>
#map2 = affine_map<(d0, d1) -> (0, 0, 0, 0)>
#map3 = affine_map<(d0, d1) -> (0, 0, 0)>
module attributes {stable_mosaic.version = 14 : i64} {
  func.func @sc_kernel(%arg0: i32, %arg1: i32, %arg2: memref<40000x128xf32, #tpu.memory_space<hbm>>, %arg3: memref<2x16x16x20x64xi32, #tpu.memory_space<hbm>>, %arg4: memref<16x16x20x64xi32, #tpu.memory_space<hbm>>, %arg5: memref<2x10112x128xf32, #tpu.memory_space<hbm>>, %arg6: memref<20x64xi32, #tpu.memory_space<vmem>>, %arg7: memref<20x64xi32, #tpu.memory_space<vmem>>, %arg8: memref<64x128xf32, #tpu.memory_space<vmem>>, %arg9: memref<64x128xf32, #tpu.memory_space<vmem>>, %arg10: memref<64x128xf32, #tpu.memory_space<vmem>>, %arg11: memref<64x128xf32, #tpu.memory_space<vmem>>, %arg12: memref<64x128xf32, #tpu.memory_space<vmem>>, %arg13: memref<10112x128xf32, #tpu.memory_space<vmem_shared>>, %arg14: memref<!tpu.dma_semaphore, #tpu.memory_space<semaphore_mem>>, %arg15: memref<!tpu.dma_semaphore, #tpu.memory_space<semaphore_mem>>, %arg16: memref<!tpu.dma_semaphore, #tpu.memory_space<semaphore_mem>>, %arg17: memref<!tpu.dma_semaphore, #tpu.memory_space<semaphore_mem>>, %arg18: memref<!tpu.dma_semaphore, #tpu.memory_space<semaphore_mem>>) attributes {dimension_semantics = [#tpu.dimension_semantics<core_parallel>, #tpu.dimension_semantics<subcore_parallel>], iteration_bounds = array<i64: 2, 16>, scalar_prefetch = 0 : i64, scratch_operands = 13 : i64, tpu.core_type = #tpu.core_type<sc_vector_subcore>, window_params = [{transform_indices = #map}, {transform_indices = #map1}, {transform_indices = #map2}, {transform_indices = #map3}]} {
    %scan3A = arith.constant 0 : i32
    %scan3A_0 = arith.constant 64 : i32
    %scan3A_1 = arith.addi %scan3A, %scan3A_0 : i32
    %scan3A_2 = arith.constant 1 : i32
    scf.for %scan3A_30 = %scan3A to %scan3A_1 step %scan3A_2  : i32 {
      %mul3A_31 = arith.constant 1 : i32
      %mul3A_32 = arith.muli %scan3A_30, %mul3A_31 : i32
      %add3A_33 = arith.constant 0 : i32
      %add3A_34 = arith.addi %add3A_33, %mul3A_32 : i32
      %scan3A_35 = arith.constant 0 : i32
      %scan3A_36 = arith.constant 8 : i32
      %scan3A_37 = arith.addi %scan3A_35, %scan3A_36 : i32
      %scan3A_38 = arith.constant 1 : i32
      scf.for %scan3A_40 = %scan3A_35 to %scan3A_37 step %scan3A_38  : i32 {
        %mul3A_41 = arith.constant 1 : i32
        %mul3A_42 = arith.muli %scan3A_40, %mul3A_41 : i32
        %add3A_43 = arith.constant 0 : i32
        %add3A_44 = arith.addi %add3A_43, %mul3A_42 : i32
        %broadcast_in_dim3A = arith.constant 0.000000e+00 : f32
        %broadcast_in_dim3A_45 = vector.broadcast %broadcast_in_dim3A : f32 to vector<16xf32>
        %mul3A_46 = arith.constant 16 : i32
        %mul3A_47 = arith.muli %add3A_44, %mul3A_46 : i32
        %swap3A = arith.index_cast %add3A_34 : i32 to index
        %swap3A_48 = arith.index_cast %mul3A_47 : i32 to index
        %swap3A_49 = tpu.vector_load %arg8[%swap3A, %swap3A_48] {strides = array<i32>} : memref<64x128xf32, #tpu.memory_space<vmem>>, vector<1x16xf32>,
        %swap3A_50 = vector.shape_cast %swap3A_49 : vector<1x16xf32> to vector<16xf32>
        %swap3A_51 = vector.shape_cast %broadcast_in_dim3A_45 : vector<16xf32> to vector<1x16xf32>
        tpu.vector_store %arg8[%swap3A, %swap3A_48], %swap3A_51 {strides = array<i32>} : memref<64x128xf32, #tpu.memory_space<vmem>>, vector<1x16xf32>,
      }
      %scan3A_39 = arith.constant 8 : i32
    }
    %scan3A_3 = arith.constant 64 : i32
    %mul3A = arith.constant 632 : i32
    %mul3A_4 = arith.muli %arg1, %mul3A : i32
    %add3A = arith.constant 0 : i32
    %add3A_5 = arith.addi %mul3A_4, %add3A : i32
    "tpu.region"() ({
      %run_scoped3A = tpu.sem_alloc : memref<!tpu.dma_semaphore, #tpu.memory_space<semaphore_mem>>
      %dma_start3A = arith.constant 0 : i32
      %dma_start3A_30 = arith.constant 0 : i32
      %dma_start3A_31 = tpu.memref_slice %arg8[%dma_start3A, %dma_start3A_30] : memref<64x128xf32, #tpu.memory_space<vmem>> -> memref<64x128xf32, #tpu.memory_space<vmem>>
      %dma_start3A_32 = arith.constant 0 : i32
      %dma_start3A_33 = tpu.memref_slice %arg13[%add3A_5, %dma_start3A_32] : memref<10112x128xf32, #tpu.memory_space<vmem_shared>> -> memref<64x128xf32, #tpu.memory_space<vmem_shared>>
      %dma_start3A_34 = arith.constant 0 : i32
      %dma_start3A_35 = tpu.memref_slice %arg13[%add3A_5, %dma_start3A_34] : memref<10112x128xf32, #tpu.memory_space<vmem_shared>> -> memref<64x128xf32, #tpu.memory_space<vmem_shared>>
      %dma_start3A_36 = arith.constant 0 : i32
      %dma_start3A_37 = arith.constant 0 : i32
      %dma_start3A_38 = tpu.memref_slice %arg8[%dma_start3A_36, %dma_start3A_37] : memref<64x128xf32, #tpu.memory_space<vmem>> -> memref<64x128xf32, #tpu.memory_space<vmem>>
      tpu.enqueue_dma source(%dma_start3A_38 : memref<64x128xf32, #tpu.memory_space<vmem>>) target(%dma_start3A_35 : memref<64x128xf32, #tpu.memory_space<vmem_shared>>) target_semaphore(%run_scoped3A : memref<!tpu.dma_semaphore, #tpu.memory_space<semaphore_mem>>)
      %dma_wait3A = arith.constant 0 : i32
      %dma_wait3A_39 = arith.constant 0 : i32
      %dma_wait3A_40 = tpu.memref_slice %arg8[%dma_wait3A, %dma_wait3A_39] : memref<64x128xf32, #tpu.memory_space<vmem>> -> memref<64x128xf32, #tpu.memory_space<vmem>>
      %dma_wait3A_41 = arith.constant 0 : i32
      %dma_wait3A_42 = tpu.memref_slice %arg13[%add3A_5, %dma_wait3A_41] : memref<10112x128xf32, #tpu.memory_space<vmem_shared>> -> memref<64x128xf32, #tpu.memory_space<vmem_shared>>
      %dma_wait3A_43 = arith.constant 0 : i32
      %dma_wait3A_44 = tpu.memref_slice %arg13[%add3A_5, %dma_wait3A_43] : memref<10112x128xf32, #tpu.memory_space<vmem_shared>> -> memref<64x128xf32, #tpu.memory_space<vmem_shared>>
      %dma_wait3A_45 = arith.constant 0 : i32
      %dma_wait3A_46 = arith.constant 0 : i32
      %dma_wait3A_47 = tpu.memref_slice %arg8[%dma_wait3A_45, %dma_wait3A_46] : memref<64x128xf32, #tpu.memory_space<vmem>> -> memref<64x128xf32, #tpu.memory_space<vmem>>
      tpu.wait_dma2 semaphore(%run_scoped3A : memref<!tpu.dma_semaphore, #tpu.memory_space<semaphore_mem>>) src(%dma_wait3A_47 : memref<64x128xf32, #tpu.memory_space<vmem>>) dst(%dma_wait3A_44 : memref<64x128xf32, #tpu.memory_space<vmem_shared>>)
      tpu.yield
    }) : () -> ()
    %add3A_6 = arith.constant 64 : i32
    %add3A_7 = arith.addi %mul3A_4, %add3A_6 : i32
    "tpu.region"() ({
      %run_scoped3A = tpu.sem_alloc : memref<!tpu.dma_semaphore, #tpu.memory_space<semaphore_mem>>
      %dma_start3A = arith.constant 0 : i32
      %dma_start3A_30 = arith.constant 0 : i32
      %dma_start3A_31 = tpu.memref_slice %arg8[%dma_start3A, %dma_start3A_30] : memref<64x128xf32, #tpu.memory_space<vmem>> -> memref<64x128xf32, #tpu.memory_space<vmem>>
      %dma_start3A_32 = arith.constant 0 : i32
      %dma_start3A_33 = tpu.memref_slice %arg13[%add3A_7, %dma_start3A_32] : memref<10112x128xf32, #tpu.memory_space<vmem_shared>> -> memref<64x128xf32, #tpu.memory_space<vmem_shared>>
      %dma_start3A_34 = arith.constant 0 : i32
      %dma_start3A_35 = tpu.memref_slice %arg13[%add3A_7, %dma_start3A_34] : memref<10112x128xf32, #tpu.memory_space<vmem_shared>> -> memref<64x128xf32, #tpu.memory_space<vmem_shared>>
      %dma_start3A_36 = arith.constant 0 : i32
      %dma_start3A_37 = arith.constant 0 : i32
      %dma_start3A_38 = tpu.memref_slice %arg8[%dma_start3A_36, %dma_start3A_37] : memref<64x128xf32, #tpu.memory_space<vmem>> -> memref<64x128xf32, #tpu.memory_space<vmem>>
      tpu.enqueue_dma source(%dma_start3A_38 : memref<64x128xf32, #tpu.memory_space<vmem>>) target(%dma_start3A_35 : memref<64x128xf32, #tpu.memory_space<vmem_shared>>) target_semaphore(%run_scoped3A : memref<!tpu.dma_semaphore, #tpu.memory_space<semaphore_mem>>)
      %dma_wait3A = arith.constant 0 : i32
      %dma_wait3A_39 = arith.constant 0 : i32
      %dma_wait3A_40 = tpu.memref_slice %arg8[%dma_wait3A, %dma_wait3A_39] : memref<64x128xf32, #tpu.memory_space<vmem>> -> memref<64x128xf32, #tpu.memory_space<vmem>>
      %dma_wait3A_41 = arith.constant 0 : i32
      %dma_wait3A_42 = tpu.memref_slice %arg13[%add3A_7, %dma_wait3A_41] : memref<10112x128xf32, #tpu.memory_space<vmem_shared>> -> memref<64x128xf32, #tpu.memory_space<vmem_shared>>
      %dma_wait3A_43 = arith.constant 0 : i32
      %dma_wait3A_44 = tpu.memref_slice %arg13[%add3A_7, %dma_wait3A_43] : memref<10112x128xf32, #tpu.memory_space<vmem_shared>> -> memref<64x128xf32, #tpu.memory_space<vmem_shared>>
      %dma_wait3A_45 = arith.constant 0 : i32
      %dma_wait3A_46 = arith.constant 0 : i32
      %dma_wait3A_47 = tpu.memref_slice %arg8[%dma_wait3A_45, %dma_wait3A_46] : memref<64x128xf32, #tpu.memory_space<vmem>> -> memref<64x128xf32, #tpu.memory_space<vmem>>
      tpu.wait_dma2 semaphore(%run_scoped3A : memref<!tpu.dma_semaphore, #tpu.memory_space<semaphore_mem>>) src(%dma_wait3A_47 : memref<64x128xf32, #tpu.memory_space<vmem>>) dst(%dma_wait3A_44 : memref<64x128xf32, #tpu.memory_space<vmem_shared>>)
      tpu.yield
    }) : () -> ()
    %add3A_8 = arith.constant 128 : i32
    %add3A_9 = arith.addi %mul3A_4, %add3A_8 : i32
    "tpu.region"() ({
      %run_scoped3A = tpu.sem_alloc : memref<!tpu.dma_semaphore, #tpu.memory_space<semaphore_mem>>
      %dma_start3A = arith.constant 0 : i32
      %dma_start3A_30 = arith.constant 0 : i32
      %dma_start3A_31 = tpu.memref_slice %arg8[%dma_start3A, %dma_start3A_30] : memref<64x128xf32, #tpu.memory_space<vmem>> -> memref<64x128xf32, #tpu.memory_space<vmem>>
      %dma_start3A_32 = arith.constant 0 : i32
      %dma_start3A_33 = tpu.memref_slice %arg13[%add3A_9, %dma_start3A_32] : memref<10112x128xf32, #tpu.memory_space<vmem_shared>> -> memref<64x128xf32, #tpu.memory_space<vmem_shared>>
      %dma_start3A_34 = arith.constant 0 : i32
      %dma_start3A_35 = tpu.memref_slice %arg13[%add3A_9, %dma_start3A_34] : memref<10112x128xf32, #tpu.memory_space<vmem_shared>> -> memref<64x128xf32, #tpu.memory_space<vmem_shared>>
      %dma_start3A_36 = arith.constant 0 : i32
      %dma_start3A_37 = arith.constant 0 : i32
      %dma_start3A_38 = tpu.memref_slice %arg8[%dma_start3A_36, %dma_start3A_37] : memref<64x128xf32, #tpu.memory_space<vmem>> -> memref<64x128xf32, #tpu.memory_space<vmem>>
      tpu.enqueue_dma source(%dma_start3A_38 : memref<64x128xf32, #tpu.memory_space<vmem>>) target(%dma_start3A_35 : memref<64x128xf32, #tpu.memory_space<vmem_shared>>) target_semaphore(%run_scoped3A : memref<!tpu.dma_semaphore, #tpu.memory_space<semaphore_mem>>)
      %dma_wait3A = arith.constant 0 : i32
      %dma_wait3A_39 = arith.constant 0 : i32
      %dma_wait3A_40 = tpu.memref_slice %arg8[%dma_wait3A, %dma_wait3A_39] : memref<64x128xf32, #tpu.memory_space<vmem>> -> memref<64x128xf32, #tpu.memory_space<vmem>>
      %dma_wait3A_41 = arith.constant 0 : i32
      %dma_wait3A_42 = tpu.memref_slice %arg13[%add3A_9, %dma_wait3A_41] : memref<10112x128xf32, #tpu.memory_space<vmem_shared>> -> memref<64x128xf32, #tpu.memory_space<vmem_shared>>
      %dma_wait3A_43 = arith.constant 0 : i32
      %dma_wait3A_44 = tpu.memref_slice %arg13[%add3A_9, %dma_wait3A_43] : memref<10112x128xf32, #tpu.memory_space<vmem_shared>> -> memref<64x128xf32, #tpu.memory_space<vmem_shared>>
      %dma_wait3A_45 = arith.constant 0 : i32
      %dma_wait3A_46 = arith.constant 0 : i32
      %dma_wait3A_47 = tpu.memref_slice %arg8[%dma_wait3A_45, %dma_wait3A_46] : memref<64x128xf32, #tpu.memory_space<vmem>> -> memref<64x128xf32, #tpu.memory_space<vmem>>
      tpu.wait_dma2 semaphore(%run_scoped3A : memref<!tpu.dma_semaphore, #tpu.memory_space<semaphore_mem>>) src(%dma_wait3A_47 : memref<64x128xf32, #tpu.memory_space<vmem>>) dst(%dma_wait3A_44 : memref<64x128xf32, #tpu.memory_space<vmem_shared>>)
      tpu.yield
    }) : () -> ()
    %add3A_10 = arith.constant 192 : i32
    %add3A_11 = arith.addi %mul3A_4, %add3A_10 : i32
    "tpu.region"() ({
      %run_scoped3A = tpu.sem_alloc : memref<!tpu.dma_semaphore, #tpu.memory_space<semaphore_mem>>
      %dma_start3A = arith.constant 0 : i32
      %dma_start3A_30 = arith.constant 0 : i32
      %dma_start3A_31 = tpu.memref_slice %arg8[%dma_start3A, %dma_start3A_30] : memref<64x128xf32, #tpu.memory_space<vmem>> -> memref<64x128xf32, #tpu.memory_space<vmem>>
      %dma_start3A_32 = arith.constant 0 : i32
      %dma_start3A_33 = tpu.memref_slice %arg13[%add3A_11, %dma_start3A_32] : memref<10112x128xf32, #tpu.memory_space<vmem_shared>> -> memref<64x128xf32, #tpu.memory_space<vmem_shared>>
      %dma_start3A_34 = arith.constant 0 : i32
      %dma_start3A_35 = tpu.memref_slice %arg13[%add3A_11, %dma_start3A_34] : memref<10112x128xf32, #tpu.memory_space<vmem_shared>> -> memref<64x128xf32, #tpu.memory_space<vmem_shared>>
      %dma_start3A_36 = arith.constant 0 : i32
      %dma_start3A_37 = arith.constant 0 : i32
      %dma_start3A_38 = tpu.memref_slice %arg8[%dma_start3A_36, %dma_start3A_37] : memref<64x128xf32, #tpu.memory_space<vmem>> -> memref<64x128xf32, #tpu.memory_space<vmem>>
      tpu.enqueue_dma source(%dma_start3A_38 : memref<64x128xf32, #tpu.memory_space<vmem>>) target(%dma_start3A_35 : memref<64x128xf32, #tpu.memory_space<vmem_shared>>) target_semaphore(%run_scoped3A : memref<!tpu.dma_semaphore, #tpu.memory_space<semaphore_mem>>)
      %dma_wait3A = arith.constant 0 : i32
      %dma_wait3A_39 = arith.constant 0 : i32
      %dma_wait3A_40 = tpu.memref_slice %arg8[%dma_wait3A, %dma_wait3A_39] : memref<64x128xf32, #tpu.memory_space<vmem>> -> memref<64x128xf32, #tpu.memory_space<vmem>>
      %dma_wait3A_41 = arith.constant 0 : i32
      %dma_wait3A_42 = tpu.memref_slice %arg13[%add3A_11, %dma_wait3A_41] : memref<10112x128xf32, #tpu.memory_space<vmem_shared>> -> memref<64x128xf32, #tpu.memory_space<vmem_shared>>
      %dma_wait3A_43 = arith.constant 0 : i32
      %dma_wait3A_44 = tpu.memref_slice %arg13[%add3A_11, %dma_wait3A_43] : memref<10112x128xf32, #tpu.memory_space<vmem_shared>> -> memref<64x128xf32, #tpu.memory_space<vmem_shared>>
      %dma_wait3A_45 = arith.constant 0 : i32
      %dma_wait3A_46 = arith.constant 0 : i32
      %dma_wait3A_47 = tpu.memref_slice %arg8[%dma_wait3A_45, %dma_wait3A_46] : memref<64x128xf32, #tpu.memory_space<vmem>> -> memref<64x128xf32, #tpu.memory_space<vmem>>
      tpu.wait_dma2 semaphore(%run_scoped3A : memref<!tpu.dma_semaphore, #tpu.memory_space<semaphore_mem>>) src(%dma_wait3A_47 : memref<64x128xf32, #tpu.memory_space<vmem>>) dst(%dma_wait3A_44 : memref<64x128xf32, #tpu.memory_space<vmem_shared>>)
      tpu.yield
    }) : () -> ()
    %add3A_12 = arith.constant 256 : i32
    %add3A_13 = arith.addi %mul3A_4, %add3A_12 : i32
    "tpu.region"() ({
      %run_scoped3A = tpu.sem_alloc : memref<!tpu.dma_semaphore, #tpu.memory_space<semaphore_mem>>
      %dma_start3A = arith.constant 0 : i32
      %dma_start3A_30 = arith.constant 0 : i32
      %dma_start3A_31 = tpu.memref_slice %arg8[%dma_start3A, %dma_start3A_30] : memref<64x128xf32, #tpu.memory_space<vmem>> -> memref<64x128xf32, #tpu.memory_space<vmem>>
      %dma_start3A_32 = arith.constant 0 : i32
      %dma_start3A_33 = tpu.memref_slice %arg13[%add3A_13, %dma_start3A_32] : memref<10112x128xf32, #tpu.memory_space<vmem_shared>> -> memref<64x128xf32, #tpu.memory_space<vmem_shared>>
      %dma_start3A_34 = arith.constant 0 : i32
      %dma_start3A_35 = tpu.memref_slice %arg13[%add3A_13, %dma_start3A_34] : memref<10112x128xf32, #tpu.memory_space<vmem_shared>> -> memref<64x128xf32, #tpu.memory_space<vmem_shared>>
      %dma_start3A_36 = arith.constant 0 : i32
      %dma_start3A_37 = arith.constant 0 : i32
      %dma_start3A_38 = tpu.memref_slice %arg8[%dma_start3A_36, %dma_start3A_37] : memref<64x128xf32, #tpu.memory_space<vmem>> -> memref<64x128xf32, #tpu.memory_space<vmem>>
      tpu.enqueue_dma source(%dma_start3A_38 : memref<64x128xf32, #tpu.memory_space<vmem>>) target(%dma_start3A_35 : memref<64x128xf32, #tpu.memory_space<vmem_shared>>) target_semaphore(%run_scoped3A : memref<!tpu.dma_semaphore, #tpu.memory_space<semaphore_mem>>)
      %dma_wait3A = arith.constant 0 : i32
      %dma_wait3A_39 = arith.constant 0 : i32
      %dma_wait3A_40 = tpu.memref_slice %arg8[%dma_wait3A, %dma_wait3A_39] : memref<64x128xf32, #tpu.memory_space<vmem>> -> memref<64x128xf32, #tpu.memory_space<vmem>>
      %dma_wait3A_41 = arith.constant 0 : i32
      %dma_wait3A_42 = tpu.memref_slice %arg13[%add3A_13, %dma_wait3A_41] : memref<10112x128xf32, #tpu.memory_space<vmem_shared>> -> memref<64x128xf32, #tpu.memory_space<vmem_shared>>
      %dma_wait3A_43 = arith.constant 0 : i32
      %dma_wait3A_44 = tpu.memref_slice %arg13[%add3A_13, %dma_wait3A_43] : memref<10112x128xf32, #tpu.memory_space<vmem_shared>> -> memref<64x128xf32, #tpu.memory_space<vmem_shared>>
      %dma_wait3A_45 = arith.constant 0 : i32
      %dma_wait3A_46 = arith.constant 0 : i32
      %dma_wait3A_47 = tpu.memref_slice %arg8[%dma_wait3A_45, %dma_wait3A_46] : memref<64x128xf32, #tpu.memory_space<vmem>> -> memref<64x128xf32, #tpu.memory_space<vmem>>
      tpu.wait_dma2 semaphore(%run_scoped3A : memref<!tpu.dma_semaphore, #tpu.memory_space<semaphore_mem>>) src(%dma_wait3A_47 : memref<64x128xf32, #tpu.memory_space<vmem>>) dst(%dma_wait3A_44 : memref<64x128xf32, #tpu.memory_space<vmem_shared>>)
      tpu.yield
    }) : () -> ()
    %add3A_14 = arith.constant 320 : i32
    %add3A_15 = arith.addi %mul3A_4, %add3A_14 : i32
    "tpu.region"() ({
      %run_scoped3A = tpu.sem_alloc : memref<!tpu.dma_semaphore, #tpu.memory_space<semaphore_mem>>
      %dma_start3A = arith.constant 0 : i32
      %dma_start3A_30 = arith.constant 0 : i32
      %dma_start3A_31 = tpu.memref_slice %arg8[%dma_start3A, %dma_start3A_30] : memref<64x128xf32, #tpu.memory_space<vmem>> -> memref<64x128xf32, #tpu.memory_space<vmem>>
      %dma_start3A_32 = arith.constant 0 : i32
      %dma_start3A_33 = tpu.memref_slice %arg13[%add3A_15, %dma_start3A_32] : memref<10112x128xf32, #tpu.memory_space<vmem_shared>> -> memref<64x128xf32, #tpu.memory_space<vmem_shared>>
      %dma_start3A_34 = arith.constant 0 : i32
      %dma_start3A_35 = tpu.memref_slice %arg13[%add3A_15, %dma_start3A_34] : memref<10112x128xf32, #tpu.memory_space<vmem_shared>> -> memref<64x128xf32, #tpu.memory_space<vmem_shared>>
      %dma_start3A_36 = arith.constant 0 : i32
      %dma_start3A_37 = arith.constant 0 : i32
      %dma_start3A_38 = tpu.memref_slice %arg8[%dma_start3A_36, %dma_start3A_37] : memref<64x128xf32, #tpu.memory_space<vmem>> -> memref<64x128xf32, #tpu.memory_space<vmem>>
      tpu.enqueue_dma source(%dma_start3A_38 : memref<64x128xf32, #tpu.memory_space<vmem>>) target(%dma_start3A_35 : memref<64x128xf32, #tpu.memory_space<vmem_shared>>) target_semaphore(%run_scoped3A : memref<!tpu.dma_semaphore, #tpu.memory_space<semaphore_mem>>)
      %dma_wait3A = arith.constant 0 : i32
      %dma_wait3A_39 = arith.constant 0 : i32
      %dma_wait3A_40 = tpu.memref_slice %arg8[%dma_wait3A, %dma_wait3A_39] : memref<64x128xf32, #tpu.memory_space<vmem>> -> memref<64x128xf32, #tpu.memory_space<vmem>>
      %dma_wait3A_41 = arith.constant 0 : i32
      %dma_wait3A_42 = tpu.memref_slice %arg13[%add3A_15, %dma_wait3A_41] : memref<10112x128xf32, #tpu.memory_space<vmem_shared>> -> memref<64x128xf32, #tpu.memory_space<vmem_shared>>
      %dma_wait3A_43 = arith.constant 0 : i32
      %dma_wait3A_44 = tpu.memref_slice %arg13[%add3A_15, %dma_wait3A_43] : memref<10112x128xf32, #tpu.memory_space<vmem_shared>> -> memref<64x128xf32, #tpu.memory_space<vmem_shared>>
      %dma_wait3A_45 = arith.constant 0 : i32
      %dma_wait3A_46 = arith.constant 0 : i32
      %dma_wait3A_47 = tpu.memref_slice %arg8[%dma_wait3A_45, %dma_wait3A_46] : memref<64x128xf32, #tpu.memory_space<vmem>> -> memref<64x128xf32, #tpu.memory_space<vmem>>
      tpu.wait_dma2 semaphore(%run_scoped3A : memref<!tpu.dma_semaphore, #tpu.memory_space<semaphore_mem>>) src(%dma_wait3A_47 : memref<64x128xf32, #tpu.memory_space<vmem>>) dst(%dma_wait3A_44 : memref<64x128xf32, #tpu.memory_space<vmem_shared>>)
      tpu.yield
    }) : () -> ()
    %add3A_16 = arith.constant 384 : i32
    %add3A_17 = arith.addi %mul3A_4, %add3A_16 : i32
    "tpu.region"() ({
      %run_scoped3A = tpu.sem_alloc : memref<!tpu.dma_semaphore, #tpu.memory_space<semaphore_mem>>
      %dma_start3A = arith.constant 0 : i32
      %dma_start3A_30 = arith.constant 0 : i32
      %dma_start3A_31 = tpu.memref_slice %arg8[%dma_start3A, %dma_start3A_30] : memref<64x128xf32, #tpu.memory_space<vmem>> -> memref<64x128xf32, #tpu.memory_space<vmem>>
      %dma_start3A_32 = arith.constant 0 : i32
      %dma_start3A_33 = tpu.memref_slice %arg13[%add3A_17, %dma_start3A_32] : memref<10112x128xf32, #tpu.memory_space<vmem_shared>> -> memref<64x128xf32, #tpu.memory_space<vmem_shared>>
      %dma_start3A_34 = arith.constant 0 : i32
      %dma_start3A_35 = tpu.memref_slice %arg13[%add3A_17, %dma_start3A_34] : memref<10112x128xf32, #tpu.memory_space<vmem_shared>> -> memref<64x128xf32, #tpu.memory_space<vmem_shared>>
      %dma_start3A_36 = arith.constant 0 : i32
      %dma_start3A_37 = arith.constant 0 : i32
      %dma_start3A_38 = tpu.memref_slice %arg8[%dma_start3A_36, %dma_start3A_37] : memref<64x128xf32, #tpu.memory_space<vmem>> -> memref<64x128xf32, #tpu.memory_space<vmem>>
      tpu.enqueue_dma source(%dma_start3A_38 : memref<64x128xf32, #tpu.memory_space<vmem>>) target(%dma_start3A_35 : memref<64x128xf32, #tpu.memory_space<vmem_shared>>) target_semaphore(%run_scoped3A : memref<!tpu.dma_semaphore, #tpu.memory_space<semaphore_mem>>)
      %dma_wait3A = arith.constant 0 : i32
      %dma_wait3A_39 = arith.constant 0 : i32
      %dma_wait3A_40 = tpu.memref_slice %arg8[%dma_wait3A, %dma_wait3A_39] : memref<64x128xf32, #tpu.memory_space<vmem>> -> memref<64x128xf32, #tpu.memory_space<vmem>>
      %dma_wait3A_41 = arith.constant 0 : i32
      %dma_wait3A_42 = tpu.memref_slice %arg13[%add3A_17, %dma_wait3A_41] : memref<10112x128xf32, #tpu.memory_space<vmem_shared>> -> memref<64x128xf32, #tpu.memory_space<vmem_shared>>
      %dma_wait3A_43 = arith.constant 0 : i32
      %dma_wait3A_44 = tpu.memref_slice %arg13[%add3A_17, %dma_wait3A_43] : memref<10112x128xf32, #tpu.memory_space<vmem_shared>> -> memref<64x128xf32, #tpu.memory_space<vmem_shared>>
      %dma_wait3A_45 = arith.constant 0 : i32
      %dma_wait3A_46 = arith.constant 0 : i32
      %dma_wait3A_47 = tpu.memref_slice %arg8[%dma_wait3A_45, %dma_wait3A_46] : memref<64x128xf32, #tpu.memory_space<vmem>> -> memref<64x128xf32, #tpu.memory_space<vmem>>
      tpu.wait_dma2 semaphore(%run_scoped3A : memref<!tpu.dma_semaphore, #tpu.memory_space<semaphore_mem>>) src(%dma_wait3A_47 : memref<64x128xf32, #tpu.memory_space<vmem>>) dst(%dma_wait3A_44 : memref<64x128xf32, #tpu.memory_space<vmem_shared>>)
      tpu.yield
    }) : () -> ()
    %add3A_18 = arith.constant 448 : i32
    %add3A_19 = arith.addi %mul3A_4, %add3A_18 : i32
    "tpu.region"() ({
      %run_scoped3A = tpu.sem_alloc : memref<!tpu.dma_semaphore, #tpu.memory_space<semaphore_mem>>
      %dma_start3A = arith.constant 0 : i32
      %dma_start3A_30 = arith.constant 0 : i32
      %dma_start3A_31 = tpu.memref_slice %arg8[%dma_start3A, %dma_start3A_30] : memref<64x128xf32, #tpu.memory_space<vmem>> -> memref<64x128xf32, #tpu.memory_space<vmem>>
      %dma_start3A_32 = arith.constant 0 : i32
      %dma_start3A_33 = tpu.memref_slice %arg13[%add3A_19, %dma_start3A_32] : memref<10112x128xf32, #tpu.memory_space<vmem_shared>> -> memref<64x128xf32, #tpu.memory_space<vmem_shared>>
      %dma_start3A_34 = arith.constant 0 : i32
      %dma_start3A_35 = tpu.memref_slice %arg13[%add3A_19, %dma_start3A_34] : memref<10112x128xf32, #tpu.memory_space<vmem_shared>> -> memref<64x128xf32, #tpu.memory_space<vmem_shared>>
      %dma_start3A_36 = arith.constant 0 : i32
      %dma_start3A_37 = arith.constant 0 : i32
      %dma_start3A_38 = tpu.memref_slice %arg8[%dma_start3A_36, %dma_start3A_37] : memref<64x128xf32, #tpu.memory_space<vmem>> -> memref<64x128xf32, #tpu.memory_space<vmem>>
      tpu.enqueue_dma source(%dma_start3A_38 : memref<64x128xf32, #tpu.memory_space<vmem>>) target(%dma_start3A_35 : memref<64x128xf32, #tpu.memory_space<vmem_shared>>) target_semaphore(%run_scoped3A : memref<!tpu.dma_semaphore, #tpu.memory_space<semaphore_mem>>)
      %dma_wait3A = arith.constant 0 : i32
      %dma_wait3A_39 = arith.constant 0 : i32
      %dma_wait3A_40 = tpu.memref_slice %arg8[%dma_wait3A, %dma_wait3A_39] : memref<64x128xf32, #tpu.memory_space<vmem>> -> memref<64x128xf32, #tpu.memory_space<vmem>>
      %dma_wait3A_41 = arith.constant 0 : i32
      %dma_wait3A_42 = tpu.memref_slice %arg13[%add3A_19, %dma_wait3A_41] : memref<10112x128xf32, #tpu.memory_space<vmem_shared>> -> memref<64x128xf32, #tpu.memory_space<vmem_shared>>
      %dma_wait3A_43 = arith.constant 0 : i32
      %dma_wait3A_44 = tpu.memref_slice %arg13[%add3A_19, %dma_wait3A_43] : memref<10112x128xf32, #tpu.memory_space<vmem_shared>> -> memref<64x128xf32, #tpu.memory_space<vmem_shared>>
      %dma_wait3A_45 = arith.constant 0 : i32
      %dma_wait3A_46 = arith.constant 0 : i32
      %dma_wait3A_47 = tpu.memref_slice %arg8[%dma_wait3A_45, %dma_wait3A_46] : memref<64x128xf32, #tpu.memory_space<vmem>> -> memref<64x128xf32, #tpu.memory_space<vmem>>
      tpu.wait_dma2 semaphore(%run_scoped3A : memref<!tpu.dma_semaphore, #tpu.memory_space<semaphore_mem>>) src(%dma_wait3A_47 : memref<64x128xf32, #tpu.memory_space<vmem>>) dst(%dma_wait3A_44 : memref<64x128xf32, #tpu.memory_space<vmem_shared>>)
      tpu.yield
    }) : () -> ()
    %add3A_20 = arith.constant 512 : i32
    %add3A_21 = arith.addi %mul3A_4, %add3A_20 : i32
    "tpu.region"() ({
      %run_scoped3A = tpu.sem_alloc : memref<!tpu.dma_semaphore, #tpu.memory_space<semaphore_mem>>
      %dma_start3A = arith.constant 0 : i32
      %dma_start3A_30 = arith.constant 0 : i32
      %dma_start3A_31 = tpu.memref_slice %arg8[%dma_start3A, %dma_start3A_30] : memref<64x128xf32, #tpu.memory_space<vmem>> -> memref<64x128xf32, #tpu.memory_space<vmem>>
      %dma_start3A_32 = arith.constant 0 : i32
      %dma_start3A_33 = tpu.memref_slice %arg13[%add3A_21, %dma_start3A_32] : memref<10112x128xf32, #tpu.memory_space<vmem_shared>> -> memref<64x128xf32, #tpu.memory_space<vmem_shared>>
      %dma_start3A_34 = arith.constant 0 : i32
      %dma_start3A_35 = tpu.memref_slice %arg13[%add3A_21, %dma_start3A_34] : memref<10112x128xf32, #tpu.memory_space<vmem_shared>> -> memref<64x128xf32, #tpu.memory_space<vmem_shared>>
      %dma_start3A_36 = arith.constant 0 : i32
      %dma_start3A_37 = arith.constant 0 : i32
      %dma_start3A_38 = tpu.memref_slice %arg8[%dma_start3A_36, %dma_start3A_37] : memref<64x128xf32, #tpu.memory_space<vmem>> -> memref<64x128xf32, #tpu.memory_space<vmem>>
      tpu.enqueue_dma source(%dma_start3A_38 : memref<64x128xf32, #tpu.memory_space<vmem>>) target(%dma_start3A_35 : memref<64x128xf32, #tpu.memory_space<vmem_shared>>) target_semaphore(%run_scoped3A : memref<!tpu.dma_semaphore, #tpu.memory_space<semaphore_mem>>)
      %dma_wait3A = arith.constant 0 : i32
      %dma_wait3A_39 = arith.constant 0 : i32
      %dma_wait3A_40 = tpu.memref_slice %arg8[%dma_wait3A, %dma_wait3A_39] : memref<64x128xf32, #tpu.memory_space<vmem>> -> memref<64x128xf32, #tpu.memory_space<vmem>>
      %dma_wait3A_41 = arith.constant 0 : i32
      %dma_wait3A_42 = tpu.memref_slice %arg13[%add3A_21, %dma_wait3A_41] : memref<10112x128xf32, #tpu.memory_space<vmem_shared>> -> memref<64x128xf32, #tpu.memory_space<vmem_shared>>
      %dma_wait3A_43 = arith.constant 0 : i32
      %dma_wait3A_44 = tpu.memref_slice %arg13[%add3A_21, %dma_wait3A_43] : memref<10112x128xf32, #tpu.memory_space<vmem_shared>> -> memref<64x128xf32, #tpu.memory_space<vmem_shared>>
      %dma_wait3A_45 = arith.constant 0 : i32
      %dma_wait3A_46 = arith.constant 0 : i32
      %dma_wait3A_47 = tpu.memref_slice %arg8[%dma_wait3A_45, %dma_wait3A_46] : memref<64x128xf32, #tpu.memory_space<vmem>> -> memref<64x128xf32, #tpu.memory_space<vmem>>
      tpu.wait_dma2 semaphore(%run_scoped3A : memref<!tpu.dma_semaphore, #tpu.memory_space<semaphore_mem>>) src(%dma_wait3A_47 : memref<64x128xf32, #tpu.memory_space<vmem>>) dst(%dma_wait3A_44 : memref<64x128xf32, #tpu.memory_space<vmem_shared>>)
      tpu.yield
    }) : () -> ()
    %add3A_22 = arith.constant 576 : i32
    %add3A_23 = arith.addi %mul3A_4, %add3A_22 : i32
    "tpu.region"() ({
      %run_scoped3A = tpu.sem_alloc : memref<!tpu.dma_semaphore, #tpu.memory_space<semaphore_mem>>
      %dma_start3A = arith.constant 0 : i32
      %dma_start3A_30 = arith.constant 0 : i32
      %dma_start3A_31 = tpu.memref_slice %arg8[%dma_start3A, %dma_start3A_30] : memref<64x128xf32, #tpu.memory_space<vmem>> -> memref<56x128xf32, #tpu.memory_space<vmem>>
      %dma_start3A_32 = arith.constant 0 : i32
      %dma_start3A_33 = tpu.memref_slice %arg13[%add3A_23, %dma_start3A_32] : memref<10112x128xf32, #tpu.memory_space<vmem_shared>> -> memref<56x128xf32, #tpu.memory_space<vmem_shared>>
      %dma_start3A_34 = arith.constant 0 : i32
      %dma_start3A_35 = tpu.memref_slice %arg13[%add3A_23, %dma_start3A_34] : memref<10112x128xf32, #tpu.memory_space<vmem_shared>> -> memref<56x128xf32, #tpu.memory_space<vmem_shared>>
      %dma_start3A_36 = arith.constant 0 : i32
      %dma_start3A_37 = arith.constant 0 : i32
      %dma_start3A_38 = tpu.memref_slice %arg8[%dma_start3A_36, %dma_start3A_37] : memref<64x128xf32, #tpu.memory_space<vmem>> -> memref<56x128xf32, #tpu.memory_space<vmem>>
      tpu.enqueue_dma source(%dma_start3A_38 : memref<56x128xf32, #tpu.memory_space<vmem>>) target(%dma_start3A_35 : memref<56x128xf32, #tpu.memory_space<vmem_shared>>) target_semaphore(%run_scoped3A : memref<!tpu.dma_semaphore, #tpu.memory_space<semaphore_mem>>)
      %dma_wait3A = arith.constant 0 : i32
      %dma_wait3A_39 = arith.constant 0 : i32
      %dma_wait3A_40 = tpu.memref_slice %arg8[%dma_wait3A, %dma_wait3A_39] : memref<64x128xf32, #tpu.memory_space<vmem>> -> memref<56x128xf32, #tpu.memory_space<vmem>>
      %dma_wait3A_41 = arith.constant 0 : i32
      %dma_wait3A_42 = tpu.memref_slice %arg13[%add3A_23, %dma_wait3A_41] : memref<10112x128xf32, #tpu.memory_space<vmem_shared>> -> memref<56x128xf32, #tpu.memory_space<vmem_shared>>
      %dma_wait3A_43 = arith.constant 0 : i32
      %dma_wait3A_44 = tpu.memref_slice %arg13[%add3A_23, %dma_wait3A_43] : memref<10112x128xf32, #tpu.memory_space<vmem_shared>> -> memref<56x128xf32, #tpu.memory_space<vmem_shared>>
      %dma_wait3A_45 = arith.constant 0 : i32
      %dma_wait3A_46 = arith.constant 0 : i32
      %dma_wait3A_47 = tpu.memref_slice %arg8[%dma_wait3A_45, %dma_wait3A_46] : memref<64x128xf32, #tpu.memory_space<vmem>> -> memref<56x128xf32, #tpu.memory_space<vmem>>
      tpu.wait_dma2 semaphore(%run_scoped3A : memref<!tpu.dma_semaphore, #tpu.memory_space<semaphore_mem>>) src(%dma_wait3A_47 : memref<56x128xf32, #tpu.memory_space<vmem>>) dst(%dma_wait3A_44 : memref<56x128xf32, #tpu.memory_space<vmem_shared>>)
      tpu.yield
    }) : () -> ()
    %barrier3A = arith.constant 0 : index
    tpu.barrier barrier_id(%barrier3A)
    %scan3A_24 = arith.constant 0 : i32
    %scan3A_25 = arith.constant 16 : i32
    %scan3A_26 = arith.addi %scan3A_24, %scan3A_25 : i32
    %scan3A_27 = arith.constant 1 : i32
    scf.for %scan3A_30 = %scan3A_24 to %scan3A_26 step %scan3A_27  : i32 {
      %mul3A_31 = arith.constant 1 : i32
      %mul3A_32 = arith.muli %scan3A_30, %mul3A_31 : i32
      %add3A_33 = arith.constant 0 : i32
      %add3A_34 = arith.addi %add3A_33, %mul3A_32 : i32
      "tpu.region"() ({
        %run_scoped3A = tpu.sem_alloc : memref<!tpu.dma_semaphore, #tpu.memory_space<semaphore_mem>>
        %dma_start3A_67 = arith.constant 0 : i32
        %dma_start3A_68 = arith.constant 0 : i32
        %dma_start3A_69 = tpu.memref_slice %arg3[%arg0, %arg1, %add3A_34, %dma_start3A_67, %dma_start3A_68] : memref<2x16x16x20x64xi32, #tpu.memory_space<hbm>> -> memref<1x1x1x20x64xi32, #tpu.memory_space<hbm>>
        %dma_start3A_70 = tpu.memref_squeeze %dma_start3A_69 : memref<1x1x1x20x64xi32, #tpu.memory_space<hbm>> -> memref<20x64xi32, #tpu.memory_space<hbm>>
        %dma_start3A_71 = arith.constant 0 : i32
        %dma_start3A_72 = arith.constant 0 : i32
        %dma_start3A_73 = tpu.memref_slice %arg3[%arg0, %arg1, %add3A_34, %dma_start3A_71, %dma_start3A_72] : memref<2x16x16x20x64xi32, #tpu.memory_space<hbm>> -> memref<1x1x1x20x64xi32, #tpu.memory_space<hbm>>
        %dma_start3A_74 = tpu.memref_squeeze %dma_start3A_73 : memref<1x1x1x20x64xi32, #tpu.memory_space<hbm>> -> memref<20x64xi32, #tpu.memory_space<hbm>>
        tpu.enqueue_dma source(%dma_start3A_74 : memref<20x64xi32, #tpu.memory_space<hbm>>) target(%arg6 : memref<20x64xi32, #tpu.memory_space<vmem>>) target_semaphore(%run_scoped3A : memref<!tpu.dma_semaphore, #tpu.memory_space<semaphore_mem>>)
        %dma_wait3A = arith.constant 0 : i32
        %dma_wait3A_75 = arith.constant 0 : i32
        %dma_wait3A_76 = tpu.memref_slice %arg3[%arg0, %arg1, %add3A_34, %dma_wait3A, %dma_wait3A_75] : memref<2x16x16x20x64xi32, #tpu.memory_space<hbm>> -> memref<1x1x1x20x64xi32, #tpu.memory_space<hbm>>
        %dma_wait3A_77 = tpu.memref_squeeze %dma_wait3A_76 : memref<1x1x1x20x64xi32, #tpu.memory_space<hbm>> -> memref<20x64xi32, #tpu.memory_space<hbm>>
        %dma_wait3A_78 = arith.constant 0 : i32
        %dma_wait3A_79 = arith.constant 0 : i32
        %dma_wait3A_80 = tpu.memref_slice %arg3[%arg0, %arg1, %add3A_34, %dma_wait3A_78, %dma_wait3A_79] : memref<2x16x16x20x64xi32, #tpu.memory_space<hbm>> -> memref<1x1x1x20x64xi32, #tpu.memory_space<hbm>>
        %dma_wait3A_81 = tpu.memref_squeeze %dma_wait3A_80 : memref<1x1x1x20x64xi32, #tpu.memory_space<hbm>> -> memref<20x64xi32, #tpu.memory_space<hbm>>
        tpu.wait_dma2 semaphore(%run_scoped3A : memref<!tpu.dma_semaphore, #tpu.memory_space<semaphore_mem>>) src(%dma_wait3A_81 : memref<20x64xi32, #tpu.memory_space<hbm>>) dst(%arg6 : memref<20x64xi32, #tpu.memory_space<vmem>>)
        tpu.yield
      }) : () -> ()
      "tpu.region"() ({
        %run_scoped3A = tpu.sem_alloc : memref<!tpu.dma_semaphore, #tpu.memory_space<semaphore_mem>>
        %dma_start3A_67 = arith.constant 0 : i32
        %dma_start3A_68 = arith.constant 0 : i32
        %dma_start3A_69 = tpu.memref_slice %arg4[%arg1, %add3A_34, %dma_start3A_67, %dma_start3A_68] : memref<16x16x20x64xi32, #tpu.memory_space<hbm>> -> memref<1x1x20x64xi32, #tpu.memory_space<hbm>>
        %dma_start3A_70 = tpu.memref_squeeze %dma_start3A_69 : memref<1x1x20x64xi32, #tpu.memory_space<hbm>> -> memref<20x64xi32, #tpu.memory_space<hbm>>
        %dma_start3A_71 = arith.constant 0 : i32
        %dma_start3A_72 = arith.constant 0 : i32
        %dma_start3A_73 = tpu.memref_slice %arg4[%arg1, %add3A_34, %dma_start3A_71, %dma_start3A_72] : memref<16x16x20x64xi32, #tpu.memory_space<hbm>> -> memref<1x1x20x64xi32, #tpu.memory_space<hbm>>
        %dma_start3A_74 = tpu.memref_squeeze %dma_start3A_73 : memref<1x1x20x64xi32, #tpu.memory_space<hbm>> -> memref<20x64xi32, #tpu.memory_space<hbm>>
        tpu.enqueue_dma source(%dma_start3A_74 : memref<20x64xi32, #tpu.memory_space<hbm>>) target(%arg7 : memref<20x64xi32, #tpu.memory_space<vmem>>) target_semaphore(%run_scoped3A : memref<!tpu.dma_semaphore, #tpu.memory_space<semaphore_mem>>)
        %dma_wait3A = arith.constant 0 : i32
        %dma_wait3A_75 = arith.constant 0 : i32
        %dma_wait3A_76 = tpu.memref_slice %arg4[%arg1, %add3A_34, %dma_wait3A, %dma_wait3A_75] : memref<16x16x20x64xi32, #tpu.memory_space<hbm>> -> memref<1x1x20x64xi32, #tpu.memory_space<hbm>>
        %dma_wait3A_77 = tpu.memref_squeeze %dma_wait3A_76 : memref<1x1x20x64xi32, #tpu.memory_space<hbm>> -> memref<20x64xi32, #tpu.memory_space<hbm>>
        %dma_wait3A_78 = arith.constant 0 : i32
        %dma_wait3A_79 = arith.constant 0 : i32
        %dma_wait3A_80 = tpu.memref_slice %arg4[%arg1, %add3A_34, %dma_wait3A_78, %dma_wait3A_79] : memref<16x16x20x64xi32, #tpu.memory_space<hbm>> -> memref<1x1x20x64xi32, #tpu.memory_space<hbm>>
        %dma_wait3A_81 = tpu.memref_squeeze %dma_wait3A_80 : memref<1x1x20x64xi32, #tpu.memory_space<hbm>> -> memref<20x64xi32, #tpu.memory_space<hbm>>
        tpu.wait_dma2 semaphore(%run_scoped3A : memref<!tpu.dma_semaphore, #tpu.memory_space<semaphore_mem>>) src(%dma_wait3A_81 : memref<20x64xi32, #tpu.memory_space<hbm>>) dst(%arg7 : memref<20x64xi32, #tpu.memory_space<vmem>>)
        tpu.yield
      }) : () -> ()
      %dma_start3A = arith.constant 0 : i32
      %dma_start3A_35 = arith.constant 0 : i32
      %dma_start3A_36 = tpu.memref_slice %arg6[%dma_start3A, %dma_start3A_35] : memref<20x64xi32, #tpu.memory_space<vmem>> -> memref<1x64xi32, #tpu.memory_space<vmem>>
      %dma_start3A_37 = tpu.memref_squeeze %dma_start3A_36 : memref<1x64xi32, #tpu.memory_space<vmem>> -> memref<64xi32, #tpu.memory_space<vmem>>
      %dma_start3A_38 = arith.constant 0 : i32
      %dma_start3A_39 = arith.constant 0 : i32
      %dma_start3A_40 = tpu.memref_slice %arg2[%dma_start3A_38, %dma_start3A_39] : memref<40000x128xf32, #tpu.memory_space<hbm>> -> memref<40000x128xf32, #tpu.memory_space<hbm>>
      tpu.enqueue_indirect_dma source(%dma_start3A_40 : memref<40000x128xf32, #tpu.memory_space<hbm>>) target(%arg8 : memref<64x128xf32, #tpu.memory_space<vmem>>) offsets(%dma_start3A_37 : memref<64xi32, #tpu.memory_space<vmem>>) semaphore(%arg14 : memref<!tpu.dma_semaphore, #tpu.memory_space<semaphore_mem>>)
      %dma_start3A_41 = arith.constant 1 : i32
      %dma_start3A_42 = arith.constant 0 : i32
      %dma_start3A_43 = tpu.memref_slice %arg6[%dma_start3A_41, %dma_start3A_42] : memref<20x64xi32, #tpu.memory_space<vmem>> -> memref<1x64xi32, #tpu.memory_space<vmem>>
      %dma_start3A_44 = tpu.memref_squeeze %dma_start3A_43 : memref<1x64xi32, #tpu.memory_space<vmem>> -> memref<64xi32, #tpu.memory_space<vmem>>
      %dma_start3A_45 = arith.constant 0 : i32
      %dma_start3A_46 = arith.constant 0 : i32
      %dma_start3A_47 = tpu.memref_slice %arg2[%dma_start3A_45, %dma_start3A_46] : memref<40000x128xf32, #tpu.memory_space<hbm>> -> memref<40000x128xf32, #tpu.memory_space<hbm>>
      tpu.enqueue_indirect_dma source(%dma_start3A_47 : memref<40000x128xf32, #tpu.memory_space<hbm>>) target(%arg9 : memref<64x128xf32, #tpu.memory_space<vmem>>) offsets(%dma_start3A_44 : memref<64xi32, #tpu.memory_space<vmem>>) semaphore(%arg15 : memref<!tpu.dma_semaphore, #tpu.memory_space<semaphore_mem>>)
      %dma_start3A_48 = arith.constant 2 : i32
      %dma_start3A_49 = arith.constant 0 : i32
      %dma_start3A_50 = tpu.memref_slice %arg6[%dma_start3A_48, %dma_start3A_49] : memref<20x64xi32, #tpu.memory_space<vmem>> -> memref<1x64xi32, #tpu.memory_space<vmem>>
      %dma_start3A_51 = tpu.memref_squeeze %dma_start3A_50 : memref<1x64xi32, #tpu.memory_space<vmem>> -> memref<64xi32, #tpu.memory_space<vmem>>
      %dma_start3A_52 = arith.constant 0 : i32
      %dma_start3A_53 = arith.constant 0 : i32
      %dma_start3A_54 = tpu.memref_slice %arg2[%dma_start3A_52, %dma_start3A_53] : memref<40000x128xf32, #tpu.memory_space<hbm>> -> memref<40000x128xf32, #tpu.memory_space<hbm>>
      tpu.enqueue_indirect_dma source(%dma_start3A_54 : memref<40000x128xf32, #tpu.memory_space<hbm>>) target(%arg10 : memref<64x128xf32, #tpu.memory_space<vmem>>) offsets(%dma_start3A_51 : memref<64xi32, #tpu.memory_space<vmem>>) semaphore(%arg16 : memref<!tpu.dma_semaphore, #tpu.memory_space<semaphore_mem>>)
      %dma_start3A_55 = arith.constant 3 : i32
      %dma_start3A_56 = arith.constant 0 : i32
      %dma_start3A_57 = tpu.memref_slice %arg6[%dma_start3A_55, %dma_start3A_56] : memref<20x64xi32, #tpu.memory_space<vmem>> -> memref<1x64xi32, #tpu.memory_space<vmem>>
      %dma_start3A_58 = tpu.memref_squeeze %dma_start3A_57 : memref<1x64xi32, #tpu.memory_space<vmem>> -> memref<64xi32, #tpu.memory_space<vmem>>
      %dma_start3A_59 = arith.constant 0 : i32
      %dma_start3A_60 = arith.constant 0 : i32
      %dma_start3A_61 = tpu.memref_slice %arg2[%dma_start3A_59, %dma_start3A_60] : memref<40000x128xf32, #tpu.memory_space<hbm>> -> memref<40000x128xf32, #tpu.memory_space<hbm>>
      tpu.enqueue_indirect_dma source(%dma_start3A_61 : memref<40000x128xf32, #tpu.memory_space<hbm>>) target(%arg11 : memref<64x128xf32, #tpu.memory_space<vmem>>) offsets(%dma_start3A_58 : memref<64xi32, #tpu.memory_space<vmem>>) semaphore(%arg17 : memref<!tpu.dma_semaphore, #tpu.memory_space<semaphore_mem>>)
      %scan3A_62 = arith.constant 0 : i32
      %scan3A_63 = arith.constant 4 : i32
      %scan3A_64 = arith.addi %scan3A_62, %scan3A_63 : i32
      %scan3A_65 = arith.constant 1 : i32
      scf.for %scan3A_67 = %scan3A_62 to %scan3A_64 step %scan3A_65  : i32 {
        %mul3A_68 = arith.constant 5 : i32
        %mul3A_69 = arith.muli %scan3A_67, %mul3A_68 : i32
        %add3A_70 = arith.constant 0 : i32
        %add3A_71 = arith.addi %add3A_70, %mul3A_69 : i32
        %add3A_72 = arith.constant 0 : i32
        %add3A_73 = arith.addi %add3A_71, %add3A_72 : i32
        %dma_wait3A = arith.constant 0 : i32
        %dma_wait3A_74 = tpu.memref_slice %arg6[%add3A_73, %dma_wait3A] : memref<20x64xi32, #tpu.memory_space<vmem>> -> memref<1x64xi32, #tpu.memory_space<vmem>>
        %dma_wait3A_75 = tpu.memref_squeeze %dma_wait3A_74 : memref<1x64xi32, #tpu.memory_space<vmem>> -> memref<64xi32, #tpu.memory_space<vmem>>
        %dma_wait3A_76 = arith.constant 0 : i32
        %dma_wait3A_77 = arith.constant 0 : i32
        %dma_wait3A_78 = tpu.memref_slice %arg2[%dma_wait3A_76, %dma_wait3A_77] : memref<40000x128xf32, #tpu.memory_space<hbm>> -> memref<40000x128xf32, #tpu.memory_space<hbm>>
        tpu.wait_indirect_dma semaphore(%arg14 : memref<!tpu.dma_semaphore, #tpu.memory_space<semaphore_mem>>) src(%dma_wait3A_78 : memref<40000x128xf32, #tpu.memory_space<hbm>>) dst(%arg8 : memref<64x128xf32, #tpu.memory_space<vmem>>)
        "tpu.region"() ({
          %run_scoped3A = tpu.sem_alloc : memref<!tpu.dma_semaphore, #tpu.memory_space<semaphore_mem>>
          %dma_start3A_152 = arith.constant 0 : i32
          %dma_start3A_153 = tpu.memref_slice %arg7[%add3A_73, %dma_start3A_152] : memref<20x64xi32, #tpu.memory_space<vmem>> -> memref<1x64xi32, #tpu.memory_space<vmem>>
          %dma_start3A_154 = tpu.memref_squeeze %dma_start3A_153 : memref<1x64xi32, #tpu.memory_space<vmem>> -> memref<64xi32, #tpu.memory_space<vmem>>
          %dma_start3A_155 = arith.constant 0 : i32
          %dma_start3A_156 = arith.constant 0 : i32
          %dma_start3A_157 = tpu.memref_slice %arg13[%dma_start3A_155, %dma_start3A_156] : memref<10112x128xf32, #tpu.memory_space<vmem_shared>> -> memref<10112x128xf32, #tpu.memory_space<vmem_shared>>
          tpu.enqueue_indirect_dma source(%arg8 : memref<64x128xf32, #tpu.memory_space<vmem>>) target(%dma_start3A_157 : memref<10112x128xf32, #tpu.memory_space<vmem_shared>>) offsets(%dma_start3A_154 : memref<64xi32, #tpu.memory_space<vmem>>) semaphore(%run_scoped3A : memref<!tpu.dma_semaphore, #tpu.memory_space<semaphore_mem>>) {add = true}
          %dma_wait3A_158 = arith.constant 0 : i32
          %dma_wait3A_159 = tpu.memref_slice %arg7[%add3A_73, %dma_wait3A_158] : memref<20x64xi32, #tpu.memory_space<vmem>> -> memref<1x64xi32, #tpu.memory_space<vmem>>
          %dma_wait3A_160 = tpu.memref_squeeze %dma_wait3A_159 : memref<1x64xi32, #tpu.memory_space<vmem>> -> memref<64xi32, #tpu.memory_space<vmem>>
          %dma_wait3A_161 = arith.constant 0 : i32
          %dma_wait3A_162 = arith.constant 0 : i32
          %dma_wait3A_163 = tpu.memref_slice %arg13[%dma_wait3A_161, %dma_wait3A_162] : memref<10112x128xf32, #tpu.memory_space<vmem_shared>> -> memref<10112x128xf32, #tpu.memory_space<vmem_shared>>
          tpu.wait_indirect_dma semaphore(%run_scoped3A : memref<!tpu.dma_semaphore, #tpu.memory_space<semaphore_mem>>) src(%arg8 : memref<64x128xf32, #tpu.memory_space<vmem>>) dst(%dma_wait3A_163 : memref<10112x128xf32, #tpu.memory_space<vmem_shared>>)
          tpu.yield
        }) : () -> ()
        %add3A_79 = arith.constant 5 : i32
        %add3A_80 = arith.addi %add3A_73, %add3A_79 : i32
        %sub3A = arith.constant 1 : i32
        %sub3A_81 = arith.subi %add3A_80, %sub3A : i32
        %lt3A = arith.constant 20 : i32
        %lt3A_82 = arith.cmpi slt, %sub3A_81, %lt3A : i32
        %convert_element_type3A = arith.extui %lt3A_82 : i1 to i32
        %cond3A = arith.constant 0 : i32
        %cond3A_83 = arith.cmpi ne, %convert_element_type3A, %cond3A : i32
        scf.if %cond3A_83 {
          %add3A_152 = arith.constant 5 : i32
          %add3A_153 = arith.addi %add3A_73, %add3A_152 : i32
          %sub3A_154 = arith.constant 1 : i32
          %sub3A_155 = arith.subi %add3A_153, %sub3A_154 : i32
          %dma_start3A_156 = arith.constant 0 : i32
          %dma_start3A_157 = tpu.memref_slice %arg6[%sub3A_155, %dma_start3A_156] : memref<20x64xi32, #tpu.memory_space<vmem>> -> memref<1x64xi32, #tpu.memory_space<vmem>>
          %dma_start3A_158 = tpu.memref_squeeze %dma_start3A_157 : memref<1x64xi32, #tpu.memory_space<vmem>> -> memref<64xi32, #tpu.memory_space<vmem>>
          %dma_start3A_159 = arith.constant 0 : i32
          %dma_start3A_160 = arith.constant 0 : i32
          %dma_start3A_161 = tpu.memref_slice %arg2[%dma_start3A_159, %dma_start3A_160] : memref<40000x128xf32, #tpu.memory_space<hbm>> -> memref<40000x128xf32, #tpu.memory_space<hbm>>
          tpu.enqueue_indirect_dma source(%dma_start3A_161 : memref<40000x128xf32, #tpu.memory_space<hbm>>) target(%arg12 : memref<64x128xf32, #tpu.memory_space<vmem>>) offsets(%dma_start3A_158 : memref<64xi32, #tpu.memory_space<vmem>>) semaphore(%arg18 : memref<!tpu.dma_semaphore, #tpu.memory_space<semaphore_mem>>)
        } else {
        }
        %add3A_84 = arith.constant 1 : i32
        %add3A_85 = arith.addi %add3A_71, %add3A_84 : i32
        %dma_wait3A_86 = arith.constant 0 : i32
        %dma_wait3A_87 = tpu.memref_slice %arg6[%add3A_85, %dma_wait3A_86] : memref<20x64xi32, #tpu.memory_space<vmem>> -> memref<1x64xi32, #tpu.memory_space<vmem>>
        %dma_wait3A_88 = tpu.memref_squeeze %dma_wait3A_87 : memref<1x64xi32, #tpu.memory_space<vmem>> -> memref<64xi32, #tpu.memory_space<vmem>>
        %dma_wait3A_89 = arith.constant 0 : i32
        %dma_wait3A_90 = arith.constant 0 : i32
        %dma_wait3A_91 = tpu.memref_slice %arg2[%dma_wait3A_89, %dma_wait3A_90] : memref<40000x128xf32, #tpu.memory_space<hbm>> -> memref<40000x128xf32, #tpu.memory_space<hbm>>
        tpu.wait_indirect_dma semaphore(%arg15 : memref<!tpu.dma_semaphore, #tpu.memory_space<semaphore_mem>>) src(%dma_wait3A_91 : memref<40000x128xf32, #tpu.memory_space<hbm>>) dst(%arg9 : memref<64x128xf32, #tpu.memory_space<vmem>>)
        "tpu.region"() ({
          %run_scoped3A = tpu.sem_alloc : memref<!tpu.dma_semaphore, #tpu.memory_space<semaphore_mem>>
          %dma_start3A_152 = arith.constant 0 : i32
          %dma_start3A_153 = tpu.memref_slice %arg7[%add3A_85, %dma_start3A_152] : memref<20x64xi32, #tpu.memory_space<vmem>> -> memref<1x64xi32, #tpu.memory_space<vmem>>
          %dma_start3A_154 = tpu.memref_squeeze %dma_start3A_153 : memref<1x64xi32, #tpu.memory_space<vmem>> -> memref<64xi32, #tpu.memory_space<vmem>>
          %dma_start3A_155 = arith.constant 0 : i32
          %dma_start3A_156 = arith.constant 0 : i32
          %dma_start3A_157 = tpu.memref_slice %arg13[%dma_start3A_155, %dma_start3A_156] : memref<10112x128xf32, #tpu.memory_space<vmem_shared>> -> memref<10112x128xf32, #tpu.memory_space<vmem_shared>>
          tpu.enqueue_indirect_dma source(%arg9 : memref<64x128xf32, #tpu.memory_space<vmem>>) target(%dma_start3A_157 : memref<10112x128xf32, #tpu.memory_space<vmem_shared>>) offsets(%dma_start3A_154 : memref<64xi32, #tpu.memory_space<vmem>>) semaphore(%run_scoped3A : memref<!tpu.dma_semaphore, #tpu.memory_space<semaphore_mem>>) {add = true}
          %dma_wait3A_158 = arith.constant 0 : i32
          %dma_wait3A_159 = tpu.memref_slice %arg7[%add3A_85, %dma_wait3A_158] : memref<20x64xi32, #tpu.memory_space<vmem>> -> memref<1x64xi32, #tpu.memory_space<vmem>>
          %dma_wait3A_160 = tpu.memref_squeeze %dma_wait3A_159 : memref<1x64xi32, #tpu.memory_space<vmem>> -> memref<64xi32, #tpu.memory_space<vmem>>
          %dma_wait3A_161 = arith.constant 0 : i32
          %dma_wait3A_162 = arith.constant 0 : i32
          %dma_wait3A_163 = tpu.memref_slice %arg13[%dma_wait3A_161, %dma_wait3A_162] : memref<10112x128xf32, #tpu.memory_space<vmem_shared>> -> memref<10112x128xf32, #tpu.memory_space<vmem_shared>>
          tpu.wait_indirect_dma semaphore(%run_scoped3A : memref<!tpu.dma_semaphore, #tpu.memory_space<semaphore_mem>>) src(%arg9 : memref<64x128xf32, #tpu.memory_space<vmem>>) dst(%dma_wait3A_163 : memref<10112x128xf32, #tpu.memory_space<vmem_shared>>)
          tpu.yield
        }) : () -> ()
        %add3A_92 = arith.constant 5 : i32
        %add3A_93 = arith.addi %add3A_85, %add3A_92 : i32
        %sub3A_94 = arith.constant 1 : i32
        %sub3A_95 = arith.subi %add3A_93, %sub3A_94 : i32
        %lt3A_96 = arith.constant 20 : i32
        %lt3A_97 = arith.cmpi slt, %sub3A_95, %lt3A_96 : i32
        %convert_element_type3A_98 = arith.extui %lt3A_97 : i1 to i32
        %cond3A_99 = arith.constant 0 : i32
        %cond3A_100 = arith.cmpi ne, %convert_element_type3A_98, %cond3A_99 : i32
        scf.if %cond3A_100 {
          %add3A_152 = arith.constant 5 : i32
          %add3A_153 = arith.addi %add3A_85, %add3A_152 : i32
          %sub3A_154 = arith.constant 1 : i32
          %sub3A_155 = arith.subi %add3A_153, %sub3A_154 : i32
          %dma_start3A_156 = arith.constant 0 : i32
          %dma_start3A_157 = tpu.memref_slice %arg6[%sub3A_155, %dma_start3A_156] : memref<20x64xi32, #tpu.memory_space<vmem>> -> memref<1x64xi32, #tpu.memory_space<vmem>>
          %dma_start3A_158 = tpu.memref_squeeze %dma_start3A_157 : memref<1x64xi32, #tpu.memory_space<vmem>> -> memref<64xi32, #tpu.memory_space<vmem>>
          %dma_start3A_159 = arith.constant 0 : i32
          %dma_start3A_160 = arith.constant 0 : i32
          %dma_start3A_161 = tpu.memref_slice %arg2[%dma_start3A_159, %dma_start3A_160] : memref<40000x128xf32, #tpu.memory_space<hbm>> -> memref<40000x128xf32, #tpu.memory_space<hbm>>
          tpu.enqueue_indirect_dma source(%dma_start3A_161 : memref<40000x128xf32, #tpu.memory_space<hbm>>) target(%arg8 : memref<64x128xf32, #tpu.memory_space<vmem>>) offsets(%dma_start3A_158 : memref<64xi32, #tpu.memory_space<vmem>>) semaphore(%arg14 : memref<!tpu.dma_semaphore, #tpu.memory_space<semaphore_mem>>)
        } else {
        }
        %add3A_101 = arith.constant 2 : i32
        %add3A_102 = arith.addi %add3A_71, %add3A_101 : i32
        %dma_wait3A_103 = arith.constant 0 : i32
        %dma_wait3A_104 = tpu.memref_slice %arg6[%add3A_102, %dma_wait3A_103] : memref<20x64xi32, #tpu.memory_space<vmem>> -> memref<1x64xi32, #tpu.memory_space<vmem>>
        %dma_wait3A_105 = tpu.memref_squeeze %dma_wait3A_104 : memref<1x64xi32, #tpu.memory_space<vmem>> -> memref<64xi32, #tpu.memory_space<vmem>>
        %dma_wait3A_106 = arith.constant 0 : i32
        %dma_wait3A_107 = arith.constant 0 : i32
        %dma_wait3A_108 = tpu.memref_slice %arg2[%dma_wait3A_106, %dma_wait3A_107] : memref<40000x128xf32, #tpu.memory_space<hbm>> -> memref<40000x128xf32, #tpu.memory_space<hbm>>
        tpu.wait_indirect_dma semaphore(%arg16 : memref<!tpu.dma_semaphore, #tpu.memory_space<semaphore_mem>>) src(%dma_wait3A_108 : memref<40000x128xf32, #tpu.memory_space<hbm>>) dst(%arg10 : memref<64x128xf32, #tpu.memory_space<vmem>>)
        "tpu.region"() ({
          %run_scoped3A = tpu.sem_alloc : memref<!tpu.dma_semaphore, #tpu.memory_space<semaphore_mem>>
          %dma_start3A_152 = arith.constant 0 : i32
          %dma_start3A_153 = tpu.memref_slice %arg7[%add3A_102, %dma_start3A_152] : memref<20x64xi32, #tpu.memory_space<vmem>> -> memref<1x64xi32, #tpu.memory_space<vmem>>
          %dma_start3A_154 = tpu.memref_squeeze %dma_start3A_153 : memref<1x64xi32, #tpu.memory_space<vmem>> -> memref<64xi32, #tpu.memory_space<vmem>>
          %dma_start3A_155 = arith.constant 0 : i32
          %dma_start3A_156 = arith.constant 0 : i32
          %dma_start3A_157 = tpu.memref_slice %arg13[%dma_start3A_155, %dma_start3A_156] : memref<10112x128xf32, #tpu.memory_space<vmem_shared>> -> memref<10112x128xf32, #tpu.memory_space<vmem_shared>>
          tpu.enqueue_indirect_dma source(%arg10 : memref<64x128xf32, #tpu.memory_space<vmem>>) target(%dma_start3A_157 : memref<10112x128xf32, #tpu.memory_space<vmem_shared>>) offsets(%dma_start3A_154 : memref<64xi32, #tpu.memory_space<vmem>>) semaphore(%run_scoped3A : memref<!tpu.dma_semaphore, #tpu.memory_space<semaphore_mem>>) {add = true}
          %dma_wait3A_158 = arith.constant 0 : i32
          %dma_wait3A_159 = tpu.memref_slice %arg7[%add3A_102, %dma_wait3A_158] : memref<20x64xi32, #tpu.memory_space<vmem>> -> memref<1x64xi32, #tpu.memory_space<vmem>>
          %dma_wait3A_160 = tpu.memref_squeeze %dma_wait3A_159 : memref<1x64xi32, #tpu.memory_space<vmem>> -> memref<64xi32, #tpu.memory_space<vmem>>
          %dma_wait3A_161 = arith.constant 0 : i32
          %dma_wait3A_162 = arith.constant 0 : i32
          %dma_wait3A_163 = tpu.memref_slice %arg13[%dma_wait3A_161, %dma_wait3A_162] : memref<10112x128xf32, #tpu.memory_space<vmem_shared>> -> memref<10112x128xf32, #tpu.memory_space<vmem_shared>>
          tpu.wait_indirect_dma semaphore(%run_scoped3A : memref<!tpu.dma_semaphore, #tpu.memory_space<semaphore_mem>>) src(%arg10 : memref<64x128xf32, #tpu.memory_space<vmem>>) dst(%dma_wait3A_163 : memref<10112x128xf32, #tpu.memory_space<vmem_shared>>)
          tpu.yield
        }) : () -> ()
        %add3A_109 = arith.constant 5 : i32
        %add3A_110 = arith.addi %add3A_102, %add3A_109 : i32
        %sub3A_111 = arith.constant 1 : i32
        %sub3A_112 = arith.subi %add3A_110, %sub3A_111 : i32
        %lt3A_113 = arith.constant 20 : i32
        %lt3A_114 = arith.cmpi slt, %sub3A_112, %lt3A_113 : i32
        %convert_element_type3A_115 = arith.extui %lt3A_114 : i1 to i32
        %cond3A_116 = arith.constant 0 : i32
        %cond3A_117 = arith.cmpi ne, %convert_element_type3A_115, %cond3A_116 : i32
        scf.if %cond3A_117 {
          %add3A_152 = arith.constant 5 : i32
          %add3A_153 = arith.addi %add3A_102, %add3A_152 : i32
          %sub3A_154 = arith.constant 1 : i32
          %sub3A_155 = arith.subi %add3A_153, %sub3A_154 : i32
          %dma_start3A_156 = arith.constant 0 : i32
          %dma_start3A_157 = tpu.memref_slice %arg6[%sub3A_155, %dma_start3A_156] : memref<20x64xi32, #tpu.memory_space<vmem>> -> memref<1x64xi32, #tpu.memory_space<vmem>>
          %dma_start3A_158 = tpu.memref_squeeze %dma_start3A_157 : memref<1x64xi32, #tpu.memory_space<vmem>> -> memref<64xi32, #tpu.memory_space<vmem>>
          %dma_start3A_159 = arith.constant 0 : i32
          %dma_start3A_160 = arith.constant 0 : i32
          %dma_start3A_161 = tpu.memref_slice %arg2[%dma_start3A_159, %dma_start3A_160] : memref<40000x128xf32, #tpu.memory_space<hbm>> -> memref<40000x128xf32, #tpu.memory_space<hbm>>
          tpu.enqueue_indirect_dma source(%dma_start3A_161 : memref<40000x128xf32, #tpu.memory_space<hbm>>) target(%arg9 : memref<64x128xf32, #tpu.memory_space<vmem>>) offsets(%dma_start3A_158 : memref<64xi32, #tpu.memory_space<vmem>>) semaphore(%arg15 : memref<!tpu.dma_semaphore, #tpu.memory_space<semaphore_mem>>)
        } else {
        }
        %add3A_118 = arith.constant 3 : i32
        %add3A_119 = arith.addi %add3A_71, %add3A_118 : i32
        %dma_wait3A_120 = arith.constant 0 : i32
        %dma_wait3A_121 = tpu.memref_slice %arg6[%add3A_119, %dma_wait3A_120] : memref<20x64xi32, #tpu.memory_space<vmem>> -> memref<1x64xi32, #tpu.memory_space<vmem>>
        %dma_wait3A_122 = tpu.memref_squeeze %dma_wait3A_121 : memref<1x64xi32, #tpu.memory_space<vmem>> -> memref<64xi32, #tpu.memory_space<vmem>>
        %dma_wait3A_123 = arith.constant 0 : i32
        %dma_wait3A_124 = arith.constant 0 : i32
        %dma_wait3A_125 = tpu.memref_slice %arg2[%dma_wait3A_123, %dma_wait3A_124] : memref<40000x128xf32, #tpu.memory_space<hbm>> -> memref<40000x128xf32, #tpu.memory_space<hbm>>
        tpu.wait_indirect_dma semaphore(%arg17 : memref<!tpu.dma_semaphore, #tpu.memory_space<semaphore_mem>>) src(%dma_wait3A_125 : memref<40000x128xf32, #tpu.memory_space<hbm>>) dst(%arg11 : memref<64x128xf32, #tpu.memory_space<vmem>>)
        "tpu.region"() ({
          %run_scoped3A = tpu.sem_alloc : memref<!tpu.dma_semaphore, #tpu.memory_space<semaphore_mem>>
          %dma_start3A_152 = arith.constant 0 : i32
          %dma_start3A_153 = tpu.memref_slice %arg7[%add3A_119, %dma_start3A_152] : memref<20x64xi32, #tpu.memory_space<vmem>> -> memref<1x64xi32, #tpu.memory_space<vmem>>
          %dma_start3A_154 = tpu.memref_squeeze %dma_start3A_153 : memref<1x64xi32, #tpu.memory_space<vmem>> -> memref<64xi32, #tpu.memory_space<vmem>>
          %dma_start3A_155 = arith.constant 0 : i32
          %dma_start3A_156 = arith.constant 0 : i32
          %dma_start3A_157 = tpu.memref_slice %arg13[%dma_start3A_155, %dma_start3A_156] : memref<10112x128xf32, #tpu.memory_space<vmem_shared>> -> memref<10112x128xf32, #tpu.memory_space<vmem_shared>>
          tpu.enqueue_indirect_dma source(%arg11 : memref<64x128xf32, #tpu.memory_space<vmem>>) target(%dma_start3A_157 : memref<10112x128xf32, #tpu.memory_space<vmem_shared>>) offsets(%dma_start3A_154 : memref<64xi32, #tpu.memory_space<vmem>>) semaphore(%run_scoped3A : memref<!tpu.dma_semaphore, #tpu.memory_space<semaphore_mem>>) {add = true}
          %dma_wait3A_158 = arith.constant 0 : i32
          %dma_wait3A_159 = tpu.memref_slice %arg7[%add3A_119, %dma_wait3A_158] : memref<20x64xi32, #tpu.memory_space<vmem>> -> memref<1x64xi32, #tpu.memory_space<vmem>>
          %dma_wait3A_160 = tpu.memref_squeeze %dma_wait3A_159 : memref<1x64xi32, #tpu.memory_space<vmem>> -> memref<64xi32, #tpu.memory_space<vmem>>
          %dma_wait3A_161 = arith.constant 0 : i32
          %dma_wait3A_162 = arith.constant 0 : i32
          %dma_wait3A_163 = tpu.memref_slice %arg13[%dma_wait3A_161, %dma_wait3A_162] : memref<10112x128xf32, #tpu.memory_space<vmem_shared>> -> memref<10112x128xf32, #tpu.memory_space<vmem_shared>>
          tpu.wait_indirect_dma semaphore(%run_scoped3A : memref<!tpu.dma_semaphore, #tpu.memory_space<semaphore_mem>>) src(%arg11 : memref<64x128xf32, #tpu.memory_space<vmem>>) dst(%dma_wait3A_163 : memref<10112x128xf32, #tpu.memory_space<vmem_shared>>)
          tpu.yield
        }) : () -> ()
        %add3A_126 = arith.constant 5 : i32
        %add3A_127 = arith.addi %add3A_119, %add3A_126 : i32
        %sub3A_128 = arith.constant 1 : i32
        %sub3A_129 = arith.subi %add3A_127, %sub3A_128 : i32
        %lt3A_130 = arith.constant 20 : i32
        %lt3A_131 = arith.cmpi slt, %sub3A_129, %lt3A_130 : i32
        %convert_element_type3A_132 = arith.extui %lt3A_131 : i1 to i32
        %cond3A_133 = arith.constant 0 : i32
        %cond3A_134 = arith.cmpi ne, %convert_element_type3A_132, %cond3A_133 : i32
        scf.if %cond3A_134 {
          %add3A_152 = arith.constant 5 : i32
          %add3A_153 = arith.addi %add3A_119, %add3A_152 : i32
          %sub3A_154 = arith.constant 1 : i32
          %sub3A_155 = arith.subi %add3A_153, %sub3A_154 : i32
          %dma_start3A_156 = arith.constant 0 : i32
          %dma_start3A_157 = tpu.memref_slice %arg6[%sub3A_155, %dma_start3A_156] : memref<20x64xi32, #tpu.memory_space<vmem>> -> memref<1x64xi32, #tpu.memory_space<vmem>>
          %dma_start3A_158 = tpu.memref_squeeze %dma_start3A_157 : memref<1x64xi32, #tpu.memory_space<vmem>> -> memref<64xi32, #tpu.memory_space<vmem>>
          %dma_start3A_159 = arith.constant 0 : i32
          %dma_start3A_160 = arith.constant 0 : i32
          %dma_start3A_161 = tpu.memref_slice %arg2[%dma_start3A_159, %dma_start3A_160] : memref<40000x128xf32, #tpu.memory_space<hbm>> -> memref<40000x128xf32, #tpu.memory_space<hbm>>
          tpu.enqueue_indirect_dma source(%dma_start3A_161 : memref<40000x128xf32, #tpu.memory_space<hbm>>) target(%arg10 : memref<64x128xf32, #tpu.memory_space<vmem>>) offsets(%dma_start3A_158 : memref<64xi32, #tpu.memory_space<vmem>>) semaphore(%arg16 : memref<!tpu.dma_semaphore, #tpu.memory_space<semaphore_mem>>)
        } else {
        }
        %add3A_135 = arith.constant 4 : i32
        %add3A_136 = arith.addi %add3A_71, %add3A_135 : i32
        %dma_wait3A_137 = arith.constant 0 : i32
        %dma_wait3A_138 = tpu.memref_slice %arg6[%add3A_136, %dma_wait3A_137] : memref<20x64xi32, #tpu.memory_space<vmem>> -> memref<1x64xi32, #tpu.memory_space<vmem>>
        %dma_wait3A_139 = tpu.memref_squeeze %dma_wait3A_138 : memref<1x64xi32, #tpu.memory_space<vmem>> -> memref<64xi32, #tpu.memory_space<vmem>>
        %dma_wait3A_140 = arith.constant 0 : i32
        %dma_wait3A_141 = arith.constant 0 : i32
        %dma_wait3A_142 = tpu.memref_slice %arg2[%dma_wait3A_140, %dma_wait3A_141] : memref<40000x128xf32, #tpu.memory_space<hbm>> -> memref<40000x128xf32, #tpu.memory_space<hbm>>
        tpu.wait_indirect_dma semaphore(%arg18 : memref<!tpu.dma_semaphore, #tpu.memory_space<semaphore_mem>>) src(%dma_wait3A_142 : memref<40000x128xf32, #tpu.memory_space<hbm>>) dst(%arg12 : memref<64x128xf32, #tpu.memory_space<vmem>>)
        "tpu.region"() ({
          %run_scoped3A = tpu.sem_alloc : memref<!tpu.dma_semaphore, #tpu.memory_space<semaphore_mem>>
          %dma_start3A_152 = arith.constant 0 : i32
          %dma_start3A_153 = tpu.memref_slice %arg7[%add3A_136, %dma_start3A_152] : memref<20x64xi32, #tpu.memory_space<vmem>> -> memref<1x64xi32, #tpu.memory_space<vmem>>
          %dma_start3A_154 = tpu.memref_squeeze %dma_start3A_153 : memref<1x64xi32, #tpu.memory_space<vmem>> -> memref<64xi32, #tpu.memory_space<vmem>>
          %dma_start3A_155 = arith.constant 0 : i32
          %dma_start3A_156 = arith.constant 0 : i32
          %dma_start3A_157 = tpu.memref_slice %arg13[%dma_start3A_155, %dma_start3A_156] : memref<10112x128xf32, #tpu.memory_space<vmem_shared>> -> memref<10112x128xf32, #tpu.memory_space<vmem_shared>>
          tpu.enqueue_indirect_dma source(%arg12 : memref<64x128xf32, #tpu.memory_space<vmem>>) target(%dma_start3A_157 : memref<10112x128xf32, #tpu.memory_space<vmem_shared>>) offsets(%dma_start3A_154 : memref<64xi32, #tpu.memory_space<vmem>>) semaphore(%run_scoped3A : memref<!tpu.dma_semaphore, #tpu.memory_space<semaphore_mem>>) {add = true}
          %dma_wait3A_158 = arith.constant 0 : i32
          %dma_wait3A_159 = tpu.memref_slice %arg7[%add3A_136, %dma_wait3A_158] : memref<20x64xi32, #tpu.memory_space<vmem>> -> memref<1x64xi32, #tpu.memory_space<vmem>>
          %dma_wait3A_160 = tpu.memref_squeeze %dma_wait3A_159 : memref<1x64xi32, #tpu.memory_space<vmem>> -> memref<64xi32, #tpu.memory_space<vmem>>
          %dma_wait3A_161 = arith.constant 0 : i32
          %dma_wait3A_162 = arith.constant 0 : i32
          %dma_wait3A_163 = tpu.memref_slice %arg13[%dma_wait3A_161, %dma_wait3A_162] : memref<10112x128xf32, #tpu.memory_space<vmem_shared>> -> memref<10112x128xf32, #tpu.memory_space<vmem_shared>>
          tpu.wait_indirect_dma semaphore(%run_scoped3A : memref<!tpu.dma_semaphore, #tpu.memory_space<semaphore_mem>>) src(%arg12 : memref<64x128xf32, #tpu.memory_space<vmem>>) dst(%dma_wait3A_163 : memref<10112x128xf32, #tpu.memory_space<vmem_shared>>)
          tpu.yield
        }) : () -> ()
        %add3A_143 = arith.constant 5 : i32
        %add3A_144 = arith.addi %add3A_136, %add3A_143 : i32
        %sub3A_145 = arith.constant 1 : i32
        %sub3A_146 = arith.subi %add3A_144, %sub3A_145 : i32
        %lt3A_147 = arith.constant 20 : i32
        %lt3A_148 = arith.cmpi slt, %sub3A_146, %lt3A_147 : i32
        %convert_element_type3A_149 = arith.extui %lt3A_148 : i1 to i32
        %cond3A_150 = arith.constant 0 : i32
        %cond3A_151 = arith.cmpi ne, %convert_element_type3A_149, %cond3A_150 : i32
        scf.if %cond3A_151 {
          %add3A_152 = arith.constant 5 : i32
          %add3A_153 = arith.addi %add3A_136, %add3A_152 : i32
          %sub3A_154 = arith.constant 1 : i32
          %sub3A_155 = arith.subi %add3A_153, %sub3A_154 : i32
          %dma_start3A_156 = arith.constant 0 : i32
          %dma_start3A_157 = tpu.memref_slice %arg6[%sub3A_155, %dma_start3A_156] : memref<20x64xi32, #tpu.memory_space<vmem>> -> memref<1x64xi32, #tpu.memory_space<vmem>>
          %dma_start3A_158 = tpu.memref_squeeze %dma_start3A_157 : memref<1x64xi32, #tpu.memory_space<vmem>> -> memref<64xi32, #tpu.memory_space<vmem>>
          %dma_start3A_159 = arith.constant 0 : i32
          %dma_start3A_160 = arith.constant 0 : i32
          %dma_start3A_161 = tpu.memref_slice %arg2[%dma_start3A_159, %dma_start3A_160] : memref<40000x128xf32, #tpu.memory_space<hbm>> -> memref<40000x128xf32, #tpu.memory_space<hbm>>
          tpu.enqueue_indirect_dma source(%dma_start3A_161 : memref<40000x128xf32, #tpu.memory_space<hbm>>) target(%arg11 : memref<64x128xf32, #tpu.memory_space<vmem>>) offsets(%dma_start3A_158 : memref<64xi32, #tpu.memory_space<vmem>>) semaphore(%arg17 : memref<!tpu.dma_semaphore, #tpu.memory_space<semaphore_mem>>)
        } else {
        }
      }
      %scan3A_66 = arith.constant 4 : i32
    }
    %scan3A_28 = arith.constant 16 : i32
    %barrier3A_29 = arith.constant 0 : index
    tpu.barrier barrier_id(%barrier3A_29)
    "tpu.region"() ({
      %run_scoped3A = tpu.sem_alloc : memref<!tpu.dma_semaphore, #tpu.memory_space<semaphore_mem>>
      %dma_start3A = arith.constant 0 : i32
      %dma_start3A_30 = tpu.memref_slice %arg5[%arg0, %mul3A_4, %dma_start3A] : memref<2x10112x128xf32, #tpu.memory_space<hbm>> -> memref<1x632x128xf32, #tpu.memory_space<hbm>>
      %dma_start3A_31 = tpu.memref_squeeze %dma_start3A_30 : memref<1x632x128xf32, #tpu.memory_space<hbm>> -> memref<632x128xf32, #tpu.memory_space<hbm>>
      %dma_start3A_32 = arith.constant 0 : i32
      %dma_start3A_33 = tpu.memref_slice %arg13[%mul3A_4, %dma_start3A_32] : memref<10112x128xf32, #tpu.memory_space<vmem_shared>> -> memref<632x128xf32, #tpu.memory_space<vmem_shared>>
      tpu.enqueue_dma source(%dma_start3A_33 : memref<632x128xf32, #tpu.memory_space<vmem_shared>>) target(%dma_start3A_31 : memref<632x128xf32, #tpu.memory_space<hbm>>) target_semaphore(%run_scoped3A : memref<!tpu.dma_semaphore, #tpu.memory_space<semaphore_mem>>)
      %dma_wait3A = arith.constant 0 : i32
      %dma_wait3A_34 = tpu.memref_slice %arg5[%arg0, %mul3A_4, %dma_wait3A] : memref<2x10112x128xf32, #tpu.memory_space<hbm>> -> memref<1x632x128xf32, #tpu.memory_space<hbm>>
      %dma_wait3A_35 = tpu.memref_squeeze %dma_wait3A_34 : memref<1x632x128xf32, #tpu.memory_space<hbm>> -> memref<632x128xf32, #tpu.memory_space<hbm>>
      %dma_wait3A_36 = arith.constant 0 : i32
      %dma_wait3A_37 = tpu.memref_slice %arg13[%mul3A_4, %dma_wait3A_36] : memref<10112x128xf32, #tpu.memory_space<vmem_shared>> -> memref<632x128xf32, #tpu.memory_space<vmem_shared>>
      tpu.wait_dma2 semaphore(%run_scoped3A : memref<!tpu.dma_semaphore, #tpu.memory_space<semaphore_mem>>) src(%dma_wait3A_37 : memref<632x128xf32, #tpu.memory_space<vmem_shared>>) dst(%dma_wait3A_35 : memref<632x128xf32, #tpu.memory_space<hbm>>)
      tpu.yield
    }) : () -> ()
    return
  }
}

module attributes {stable_mosaic.version = 14 : i64} {
  func.func @_table_body(%arg0: i32, %arg1: i32, %arg2: memref<2000x256xf32, #tpu.memory_space<vmem>>, %arg3: memref<1x256x128xf32, #tpu.memory_space<vmem>>, %arg4: memref<1x1x128xf32, #tpu.memory_space<vmem>>, %arg5: memref<2000x128xf32, #tpu.memory_space<vmem>>) attributes {dimension_semantics = [#tpu.dimension_semantics<arbitrary>, #tpu.dimension_semantics<arbitrary>], iteration_bounds = array<i64: 5, 4>, scalar_prefetch = 0 : i64, scratch_operands = 0 : i64, tpu.core_type = #tpu.core_type<tc>, window_params = [{transform_indices = @transform_0, window_bounds = array<i64: 2000, 256>}, {transform_indices = @transform_1, window_bounds = array<i64: 1, 256, 128>}, {transform_indices = @transform_2, window_bounds = array<i64: 1, 1, 128>}, {transform_indices = @transform_3, window_bounds = array<i64: 2000, 128>}]} {
    %get3A = arith.constant 0 : index
    %get3A_0 = arith.constant 0 : index
    %get3A_1 = vector.load %arg2[%get3A, %get3A_0] : memref<2000x256xf32, #tpu.memory_space<vmem>>, vector<2000x256xf32>
    %get3A_2 = arith.constant 0 : index
    %get3A_3 = arith.constant 0 : index
    %get3A_4 = arith.constant 0 : index
    %get3A_5 = vector.load %arg3[%get3A_2, %get3A_3, %get3A_4] : memref<1x256x128xf32, #tpu.memory_space<vmem>>, vector<1x256x128xf32>
    %get3A_6 = vector.shape_cast %get3A_5 : vector<1x256x128xf32> to vector<256x128xf32>
    %dot_general3A = arith.constant dense<0.000000e+00> : vector<2000x128xf32>
    %dot_general3A_7 = tpu.matmul %get3A_1, %get3A_6, %dot_general3A {dimension_numbers = #tpu.dot_dimension_numbers<[1], [0], [0], [1], [0, 0, 1, 1], [], []>, transpose_lhs_hint = false} : vector<2000x256xf32>, vector<256x128xf32>, vector<2000x128xf32> -> vector<2000x128xf32>
    %get3A_8 = arith.constant 0 : index
    %get3A_9 = arith.constant 0 : index
    %get3A_10 = arith.constant 0 : index
    %get3A_11 = vector.load %arg4[%get3A_8, %get3A_9, %get3A_10] : memref<1x1x128xf32, #tpu.memory_space<vmem>>, vector<1x1x128xf32>
    %get3A_12 = vector.shape_cast %get3A_11 : vector<1x1x128xf32> to vector<1x128xf32>
    %add3A = vector.broadcast %get3A_12 : vector<1x128xf32> to vector<2000x128xf32>
    %add3A_13 = arith.addf %dot_general3A_7, %add3A : vector<2000x128xf32>
    %swap3A = arith.constant 0 : index
    %swap3A_14 = arith.constant 0 : index
    %swap3A_15 = vector.load %arg5[%swap3A, %swap3A_14] : memref<2000x128xf32, #tpu.memory_space<vmem>>, vector<2000x128xf32>
    tpu.vector_store %arg5[%swap3A, %swap3A_14], %add3A_13 {strides = array<i32>} : memref<2000x128xf32, #tpu.memory_space<vmem>>, vector<2000x128xf32>,
    return
  }
  func.func @transform_0(%arg0: i32, %arg1: i32) -> (i32, i32) {
    %c0_i32 = arith.constant 0 : i32
    %c0_i32_0 = arith.constant 0 : i32
    return %arg0, %c0_i32 : i32, i32
  }
  func.func @transform_1(%arg0: i32, %arg1: i32) -> (i32, i32, i32) {
    %c0_i32 = arith.constant 0 : i32
    %c0_i32_0 = arith.constant 0 : i32
    %c0_i32_1 = arith.constant 0 : i32
    return %arg1, %c0_i32, %c0_i32_0 : i32, i32, i32
  }
  func.func @transform_2(%arg0: i32, %arg1: i32) -> (i32, i32, i32) {
    %c0_i32 = arith.constant 0 : i32
    %c0_i32_0 = arith.constant 0 : i32
    %c0_i32_1 = arith.constant 0 : i32
    return %arg1, %c0_i32, %c0_i32_0 : i32, i32, i32
  }
  func.func @transform_3(%arg0: i32, %arg1: i32) -> (i32, i32) {
    %mul3A = arith.constant 5 : i32
    %mul3A_0 = arith.muli %arg1, %mul3A : i32
    %add3A = arith.addi %mul3A_0, %arg0 : i32
    %c0_i32 = arith.constant 0 : i32
    %c0_i32_1 = arith.constant 0 : i32
    return %add3A, %c0_i32 : i32, i32
  }
}

module attributes {stable_mosaic.version = 14 : i64} {
  func.func @_final_body(%arg0: i32, %arg1: i32, %arg2: memref<2000x256xf32, #tpu.memory_space<vmem>>, %arg3: memref<1x256x128xf32, #tpu.memory_space<vmem>>, %arg4: memref<1x1x128xf32, #tpu.memory_space<vmem>>, %arg5: memref<1x2000x128xf32, #tpu.memory_space<vmem>>, %arg6: memref<2000x128xf32, #tpu.memory_space<vmem>>) attributes {dimension_semantics = [#tpu.dimension_semantics<arbitrary>, #tpu.dimension_semantics<arbitrary>], iteration_bounds = array<i64: 5, 2>, scalar_prefetch = 0 : i64, scratch_operands = 0 : i64, tpu.core_type = #tpu.core_type<tc>, window_params = [{transform_indices = @transform_0, window_bounds = array<i64: 2000, 256>}, {transform_indices = @transform_1, window_bounds = array<i64: 1, 256, 128>}, {transform_indices = @transform_2, window_bounds = array<i64: 1, 1, 128>}, {transform_indices = @transform_3, window_bounds = array<i64: 1, 2000, 128>}, {transform_indices = @transform_4, window_bounds = array<i64: 2000, 128>}]} {
    %get3A = arith.constant 0 : index
    %get3A_0 = arith.constant 0 : index
    %get3A_1 = vector.load %arg2[%get3A, %get3A_0] : memref<2000x256xf32, #tpu.memory_space<vmem>>, vector<2000x256xf32>
    %get3A_2 = arith.constant 0 : index
    %get3A_3 = arith.constant 0 : index
    %get3A_4 = arith.constant 0 : index
    %get3A_5 = vector.load %arg3[%get3A_2, %get3A_3, %get3A_4] : memref<1x256x128xf32, #tpu.memory_space<vmem>>, vector<1x256x128xf32>
    %get3A_6 = vector.shape_cast %get3A_5 : vector<1x256x128xf32> to vector<256x128xf32>
    %dot_general3A = arith.constant dense<0.000000e+00> : vector<2000x128xf32>
    %dot_general3A_7 = tpu.matmul %get3A_1, %get3A_6, %dot_general3A {dimension_numbers = #tpu.dot_dimension_numbers<[1], [0], [0], [1], [0, 0, 1, 1], [], []>, transpose_lhs_hint = false} : vector<2000x256xf32>, vector<256x128xf32>, vector<2000x128xf32> -> vector<2000x128xf32>
    %get3A_8 = arith.constant 0 : index
    %get3A_9 = arith.constant 0 : index
    %get3A_10 = arith.constant 0 : index
    %get3A_11 = vector.load %arg4[%get3A_8, %get3A_9, %get3A_10] : memref<1x1x128xf32, #tpu.memory_space<vmem>>, vector<1x1x128xf32>
    %get3A_12 = vector.shape_cast %get3A_11 : vector<1x1x128xf32> to vector<1x128xf32>
    %add3A = vector.broadcast %get3A_12 : vector<1x128xf32> to vector<2000x128xf32>
    %add3A_13 = arith.addf %dot_general3A_7, %add3A : vector<2000x128xf32>
    %get3A_14 = arith.constant 0 : index
    %get3A_15 = arith.constant 0 : index
    %get3A_16 = arith.constant 0 : index
    %get3A_17 = vector.load %arg5[%get3A_14, %get3A_15, %get3A_16] : memref<1x2000x128xf32, #tpu.memory_space<vmem>>, vector<1x2000x128xf32>
    %get3A_18 = vector.shape_cast %get3A_17 : vector<1x2000x128xf32> to vector<2000x128xf32>
    %add3A_19 = arith.addf %add3A_13, %get3A_18 : vector<2000x128xf32>
    %mul3A = arith.constant 5.000000e-01 : f32
    %mul3A_20 = vector.broadcast %mul3A : f32 to vector<2000x128xf32>
    %mul3A_21 = arith.mulf %mul3A_20, %add3A_19 : vector<2000x128xf32>
    %mul3A_22 = arith.constant 0.707106769 : f32
    %mul3A_23 = vector.broadcast %mul3A_22 : f32 to vector<2000x128xf32>
    %mul3A_24 = arith.mulf %add3A_19, %mul3A_23 : vector<2000x128xf32>
    %erf3A = math.erf %mul3A_24 : vector<2000x128xf32>
    %add3A_25 = arith.constant 1.000000e+00 : f32
    %add3A_26 = vector.broadcast %add3A_25 : f32 to vector<2000x128xf32>
    %add3A_27 = arith.addf %add3A_26, %erf3A : vector<2000x128xf32>
    %mul3A_28 = arith.mulf %mul3A_21, %add3A_27 : vector<2000x128xf32>
    %swap3A = arith.constant 0 : index
    %swap3A_29 = arith.constant 0 : index
    %swap3A_30 = vector.load %arg6[%swap3A, %swap3A_29] : memref<2000x128xf32, #tpu.memory_space<vmem>>, vector<2000x128xf32>
    tpu.vector_store %arg6[%swap3A, %swap3A_29], %mul3A_28 {strides = array<i32>} : memref<2000x128xf32, #tpu.memory_space<vmem>>, vector<2000x128xf32>,
    return
  }
  func.func @transform_0(%arg0: i32, %arg1: i32) -> (i32, i32) {
    %c0_i32 = arith.constant 0 : i32
    %c0_i32_0 = arith.constant 0 : i32
    return %arg0, %c0_i32 : i32, i32
  }
  func.func @transform_1(%arg0: i32, %arg1: i32) -> (i32, i32, i32) {
    %c0_i32 = arith.constant 0 : i32
    %c0_i32_0 = arith.constant 0 : i32
    %c0_i32_1 = arith.constant 0 : i32
    return %arg1, %c0_i32, %c0_i32_0 : i32, i32, i32
  }
  func.func @transform_2(%arg0: i32, %arg1: i32) -> (i32, i32, i32) {
    %c0_i32 = arith.constant 0 : i32
    %c0_i32_0 = arith.constant 0 : i32
    %c0_i32_1 = arith.constant 0 : i32
    return %arg1, %c0_i32, %c0_i32_0 : i32, i32, i32
  }
  func.func @transform_3(%arg0: i32, %arg1: i32) -> (i32, i32, i32) {
    %c0_i32 = arith.constant 0 : i32
    %c0_i32_0 = arith.constant 0 : i32
    return %arg1, %arg0, %c0_i32 : i32, i32, i32
  }
  func.func @transform_4(%arg0: i32, %arg1: i32) -> (i32, i32) {
    %c0_i32 = arith.constant 0 : i32
    return %arg0, %arg1 : i32, i32
  }
}

</mosaic_0001>

<sc_bundles>
// kernel: kernel.5.cloned.1.call-start
scs
__scs_entry_jumppad:
0x0: {  	(pc) =	sbr.rel $0x88, $3  }
0x1: {  	(tag) =	ssettag $0x0;
	lr =	simm.s32 $0x1  }
0x2: {  	[smem:$0x3F99] =	sst lr;
	_ =	strace $0xD0000000  }
0x3: {  	_ = 	snop  }
0x4: {  	_ = 	snop  }
0x5: {  	_ = 	snop  }
0x6: {  	_ = 	snop  }
0x7: {  	_ = 	snop  }
__scs_overlays_trampoline_lowered:
0x8: {  	[smem:$0x3FA8] =	sst s0  }
0x9: {  	[smem:$0x3FA9] =	sst s1  }
0xa: {  	[smem:$0x3FAA] =	sst s2  }
0xb: {  	[smem:$0x3FAB] =	sst s3  }
0xc: {  	[smem:$0x3FAC] =	sst s4  }
0xd: {  	[smem:$0x3FAD] =	sst s5  }
0xe: {  	[smem:$0x3FAE] =	sst s6  }
0xf: {  	[smem:$0x3FAF] =	sst s7  }
0x10: {  	[smem:$0x3FB0] =	sst s8  }
0x11: {  	[smem:$0x3FB1] =	sst s9;
	s0 =	simm.s32 @!p0 $0x0  }
0x12: {  	s1 =	sld [smem:$0x3F97];
	s0 =	simm.s32 @p0 $0x1  }
0x13: {  	[smem:$0x3FB2] =	sst s0;
	s0 =	simm.s32 @!p1 $0x0  }
0x14: {  	s2 =	sld [smem:$0x3F96];
	s0 =	simm.s32 @p1 $0x1  }
0x15: {  	[smem:$0x3FB3] =	sst s0;
	s0 =	simm.s32 @!p2 $0x0  }
0x16: {  	s3 =	sld [smem:$0x3FDB];
	s0 =	simm.s32 @p2 $0x1  }
0x17: {  	s4 =	simm.s32 $0x1BF5;
	[smem:$0x3FB5] =	sst s0  }
0x18: {  	s0 =	sld [smem:$0x3F98];
	_ =	swait.ge [sflag:s4], $0x0  }
0x19: {  	s7 =	sld [smem:$0x3F99]  }
0x1a: {  	s8 =	sadd.s32 $0xFFFFE003, lr  }
0x1b: {  	s9 =	sadd.s32 $0xFFFFFEF7, lr;
	s5 =	simm.s32 $0xFFFFFFFF;
	p2 =	slt.u32 s8, $0xFFFFF086  }
0x1c: {  	p1 =	slt.u32 s9, $0xF7A;
	s5 =	simm.s32 @!p2 $0x0  }
0x1d: {  	s5 =	simm.s32 @p1 $0x1;
	p0 =	seq.s32 s7, s2  }
0x1e: {  	s7 =	smul.u32 @!p0 $0xF7A, s2;
	p2 =	seq.s32 @!p0 s5, $0x0  }
0x1f: {  	s9 =	smul.u32 $0xF7A, s1;
	s8 =	simm.s32 @!p0 $0x1BF5;
	p2 =	por !p2, p0  }
0x20: {  	[sflag:s8] =	ssyncset.s32 @!p0 $0xFFFFF086;
	s6 =	sadd.s32 @!p0 s3, s7;
	s7 =	simm.s32 @!p0 $0x108  }
0x21: {  	s3 =	sadd.s32 s3, s9;
	s6 =	sadd.s32 @!p0 $0x88, s6;
	s7 =	simm.s32 @p2 $0x1082  }
0x22: {  	[simem:s7], [sflag:s8] =	dma.local @!p0 [hbm:s6], $0xF7A  }
0x23: {  	s9 =	sor.u32 $0xD0000000, s2;
	s6 =	simm.s32 $0x108;
	_ =	swait.ge @!p0 [sflag:s8], $0x0  }
0x24: {  	s3 =	sadd.s32 $0x88, s3;
	s6 =	simm.s32 @!p1 $0x1082;
	[sflag:s4] =	ssyncset.s32 $0xFFFFF086  }
0x25: {  	[simem:s6], [sflag:s4] =	dma.local [hbm:s3], $0xF7A  }
0x26: {  	[smem:$0x3F99] =	sst s1;
	(tag) =	ssettag s2;
	_ =	strace s9  }
0x27: {  	s1 =	sld [smem:$0x3FA9]  }
0x28: {  	s2 =	sld [smem:$0x3FAA]  }
0x29: {  	s4 =	sld [smem:$0x3FAC]  }
0x2a: {  	p0 =	seq.s32 s5, $0x0;
	s5 =	sld [smem:$0x3FAD]  }
0x2b: {  	s6 =	sld [smem:$0x3FAE]  }
0x2c: {  	s7 =	sld [smem:$0x3FAF]  }
0x2d: {  	s3 =	simm.s32 $0x108;
	s8 =	sld [smem:$0x3FB0]  }
0x2e: {  	s3 =	simm.s32 @!p0 $0x1082;
	s9 =	sld [smem:$0x3FB1]  }
0x2f: {  	lr =	sadd.s32 s0, s3;
	s0 =	sld [smem:$0x3FA8]  }
0x30: {  	s3 =	sld [smem:$0x3FAB]  }
0x31: {  	[smem:$0x3FB4] =	sst s10  }
0x32: {  	s10 =	sld [smem:$0x3FB2];
	_ =	sdelay $0x3  }
0x33: {  	p0 =	seq.s32 s10, $0x1;
	s10 =	sld [smem:$0x3FB4];
	_ =	sdelay $0x3  }
0x34: {  	[smem:$0x3FB4] =	sst s10  }
0x35: {  	s10 =	sld [smem:$0x3FB3];
	_ =	sdelay $0x3  }
0x36: {  	p1 =	seq.s32 s10, $0x1;
	s10 =	sld [smem:$0x3FB4];
	_ =	sdelay $0x3  }
0x37: {  	[smem:$0x3FB4] =	sst s10  }
0x38: {  	s10 =	sld [smem:$0x3FB5]  }
0x39: {  	_ = 	snop;
	(pc) =	sbr.ind lr, $3  }
0x3a: {  	_ = 	snop  }
0x3b: {  	_ = 	snop  }
0x3c: {  	p2 =	seq.s32 s10, $0x1;
	s10 =	sld [smem:$0x3FB4]  }
0x3d: {  	_ =	shalt  }
0x3e: {  	_ =	shalt  }
0x3f: {  	_ =	shalt  }
0x40: {  	_ =	shalt  }
0x41: {  	_ =	shalt  }
0x42: {  	_ =	shalt  }
0x43: {  	_ =	shalt  }
0x44: {  	_ =	shalt  }
0x45: {  	_ =	shalt  }
0x46: {  	_ =	shalt  }
0x47: {  	_ =	shalt  }
0x48: {  	_ =	shalt  }
0x49: {  	_ =	shalt  }
0x4a: {  	_ =	shalt  }
0x4b: {  	_ =	shalt  }
0x4c: {  	_ =	shalt  }
0x4d: {  	_ =	shalt  }
0x4e: {  	_ =	shalt  }
0x4f: {  	_ =	shalt  }
0x50: {  	_ =	shalt  }
0x51: {  	_ =	shalt  }
0x52: {  	_ =	shalt  }
0x53: {  	_ =	shalt  }
0x54: {  	_ =	shalt  }
0x55: {  	_ =	shalt  }
0x56: {  	_ =	shalt  }
0x57: {  	_ =	shalt  }
0x58: {  	_ =	shalt  }
0x59: {  	_ =	shalt  }
0x5a: {  	_ =	shalt  }
0x5b: {  	_ =	shalt  }
0x5c: {  	_ =	shalt  }
0x5d: {  	_ =	shalt  }
0x5e: {  	_ =	shalt  }
0x5f: {  	_ =	shalt  }
0x60: {  	_ =	shalt  }
0x61: {  	_ =	shalt  }
0x62: {  	_ =	shalt  }
0x63: {  	_ =	shalt  }
0x64: {  	_ =	shalt  }
0x65: {  	_ =	shalt  }
0x66: {  	_ =	shalt  }
0x67: {  	_ =	shalt  }
0x68: {  	_ =	shalt  }
0x69: {  	_ =	shalt  }
0x6a: {  	_ =	shalt  }
0x6b: {  	_ =	shalt  }
0x6c: {  	_ =	shalt  }
0x6d: {  	_ =	shalt  }
0x6e: {  	_ =	shalt  }
0x6f: {  	_ =	shalt  }
0x70: {  	_ =	shalt  }
0x71: {  	_ =	shalt  }
0x72: {  	_ =	shalt  }
0x73: {  	_ =	shalt  }
0x74: {  	_ =	shalt  }
0x75: {  	_ =	shalt  }
0x76: {  	_ =	shalt  }
0x77: {  	_ =	shalt  }
0x78: {  	_ =	shalt  }
0x79: {  	_ =	shalt  }
0x7a: {  	_ =	shalt  }
0x7b: {  	_ =	shalt  }
0x7c: {  	_ =	shalt  }
0x7d: {  	_ =	shalt  }
0x7e: {  	_ =	shalt  }
0x7f: {  	_ =	shalt  }
0x80: {  	_ =	shalt  }
0x81: {  	_ =	shalt  }
0x82: {  	_ =	shalt  }
0x83: {  	_ =	shalt  }
0x84: {  	_ =	shalt  }
0x85: {  	_ =	shalt  }
0x86: {  	_ =	shalt  }
0x87: {  	_ =	shalt  }
.Lfunc_end0:
.L_simem_size_0:
called_computation_lowered:
.L_overlay_start_0:
0x88: {  	s2 =	sld [smem:$0x3FD9]  }
0x89: {  	s3 =	sld [smem:$0x3FFE];
	_ =	sdelay $0x1  }
0x8a: {  	s1 =	srdreg.scid  }
0x8b: {  	s0 =	sand.u32 $0x1, s1  }
0x8c: {  	s17 =	sshll.u32 s0, $0xA;
	s2 =	sadd.s32 s3, s2  }
0x8d: {  	s2 =	sadd.s32 s2, s17  }
0x8e: {  	[smem:$0x3FC0] =	sst s2  }
0x8f: {  	_ = 	snop  }
0x90: {  	s2 =	sld [smem:$0x3FD0];
	(tm) =	ssettm $0x1  }
0x91: {  	s18 =	sld [smem:$0x3FFB];
	_ =	sdelay $0x3  }
0x92: {  	_ =	strace s18  }
0x93: {  	s3 =	sld [smem:$0x3FFC];
	_ =	sdelay $0x3  }
0x94: {  	_ =	strace s3  }
0x95: {  	s3 =	sld [smem:$0x3FFD];
	_ =	sdelay $0x3  }
0x96: {  	_ =	strace s3  }
0x97: {  	_ =	strace $0x8FFFFFFF  }
0x98: {  	s19 =	sld [smem:$0x3FDB];
	_ =	sdelay $0x1  }
0x99: {  	s4 =	simm.s32 $_scs_section_size  }
0x9a: {  	s5 =	simm.s32 $_size__tile_overlayer_lowered;
	s6 =	simm.s32 $_tile_overlayer_lowered  }
0x9b: {  	s22 =	simm.s32 $0x1BFF;
	s21 =	sshll.u32 s6, $0x1;
	s3 =	sadd.s32 s4, s19  }
0x9c: {  	s7 =	simm.s32 $0x0;
	s20 =	sshll.u32 s5, $0x1;
	s5 =	sadd.s32 s21, s3  }
0x9d: {  	[timem:s7], [sflag:s22] =	dma.local [hbm:s5], s20  }
0x9e: {  	_ =	swait.ge [sflag:s22], s20  }
0x9f: {  	s4 =	ssub.s32 $0x0, s20;
	[sflag:s22] =	ssyncset.done $0x0  }
0xa0: {  	[sflag:s22] =	ssyncadd.s32 s4;
	_ =	sdelay $0x1  }
0xa1: {  	s23 =	simm.s32 $0x1B8B  }
0xa2: {  	_ =	swait.ge [sflag:s23], $0x1  }
0xa3: {  	[sflag:s23] =	ssyncset.done $0x0  }
0xa4: {  	s25 =	simm.s32 $0x1B8E;
	s24 =	sld [smem:$0x3FFE];
	[sflag:s23] =	ssyncadd.s32 $0xFFFFFFFF  }
0xa5: {  	s26 =	simm.s32 $execute0_lowered;
	[smem:$0x3FD2] =	sst s25  }
0xa6: {  	s5 =	sshll.u32 s26, $0x1;
	_ =	strace $0x80000046;
	[dreg:$0x1] =	wrdreg $0xFFFFFFFF  }
0xa7: {  	s28 =	simm.s32 $_size_execute0_lowered;
	s3 =	sadd.s32 s3, s5;
	[dreg:$0x0] =	wrdreg $0x0  }
0xa8: {  	s5 =	sshll.u32 s28, $0x1;
	[dreg:$0x2] =	wrdreg s3  }
0xa9: {  	[dreg:$0x3] =	wrdreg s5  }
0xaa: {  	[dreg:$0x4] =	wrdreg $0xC0  }
0xab: {  	_ =	task [dreg:s7], $0x5FFFF  }
0xac: {  	[dreg:$0x1] =	wrdreg $0xFFFFFFFF  }
0xad: {  	[dreg:$0x0] =	wrdreg $0x60  }
0xae: {  	[dreg:$0x2] =	wrdreg s24  }
0xaf: {  	[dreg:$0x3] =	wrdreg s2  }
0xb0: {  	[dreg:$0x4] =	wrdreg $0xB8000  }
0xb1: {  	[dreg:$0x5] =	wrdreg $0x9  }
0xb2: {  	_ =	task.clear_ibuf [dreg:s7], $0x6FFFF;
	_ =	strace $0x90000046  }
0xb3: {  	s29 =	simm.s32 $0x9;
	_ =	strace $0x80000048  }
0xb4: {  	_ =	swait.ge [sflag:s29], $0x1  }
0xb5: {  	[sflag:s29] =	ssyncadd.s32 $0xFFFFFFFF  }
0xb6: {  	_ =	strace $0x90000048  }
0xb7: {  	_ =	sfence  }
0xb8: {  	s30 =	sld [smem:$0x0];
	_ =	sdelay $0x2  }
0xb9: {  	s31 =	sshll.u32 s1, $0xD;
	s1 =	sshrl.u32 s1, $0x2  }
0xba: {  	s3 =	sand.u32 $0x4000, s31;
	s1 =	sadd.s32 s1, s30  }
0xbb: {  	s0 =	sor.u32 s3, s0;
	s1 =	sshll.u32 s1, $0x11  }
0xbc: {  	s0 =	sor.u32 s1, s0  }
0xbd: {  	s0 =	sadd.s32 $0x8F2B, s0  }
0xbe: {  	[sflag:s0] =	ssyncadd.remote.s32 $0x1  }
0xbf: {  	_ =	sfence.sel $0xFFFF  }
0xc0: {  	[dreg:$0x0] =	wrdreg $0xFFFFFFFF;
	(pc) =	sbr.abs _section_cstart, $3  }
0xc1: {  	[dreg:$0x1] =	wrdreg $0xFFFFFFFF  }
0xc2: {  	_ =	task.clear_ibuf [dreg:s7], $0x2FFFF;
	_ =	strace $0x9FFFFFFF  }
0xc3: {  	(tm) =	ssettm $0x7FFFFFFF  }
tec
execute0_lowered:
.L_overlay_start_1:
0x0: {  	(tag) =	ssettag $0x1  }
0x1: {  	s0 =	rddreg [dreg:$0x0]  }
0x2: {  	s5 =	rddreg [dreg:$0x1]  }
0x3: {  	s2 =	rddreg [dreg:$0x2];
	s3 =	simm.s32 $0x0  }
0x4: {  	s12 =	simm.s32 $0x200;
	[smem:$0x7FF] =	sst s3  }
0x5: {  	s14 =	simm.s32 $0xC80;
	_ =	strace $0x80000047;
	[dreg:$0x9] =	wrdreg s12  }
0x6: {  	s15 =	simm.s32 $0x280;
	[dreg:$0xa] =	wrdreg s14  }
0x7: {  	s1 =	srdreg.scid;
	s17 =	simm.s32 $0xD00;
	[dreg:$0xb] =	wrdreg s15  }
0x8: {  	s10 =	stileid.u32;
	s18 =	simm.s32 $0x300;
	[dreg:$0xc] =	wrdreg s17  }
0x9: {  	s20 =	simm.s32 $0xD80;
	s22 =	simm.s32 $0x380;
	[dreg:$0xd] =	wrdreg s18  }
0xa: {  	s24 =	simm.s32 $0xE00;
	s6 =	smul.u32 $0xC000, s10;
	[dreg:$0xe] =	wrdreg s20  }
0xb: {  	s1 =	sand.u32 $0x1, s1;
	s7 =	smul.u32 $0x1800, s10;
	[dreg:$0xf] =	wrdreg s22  }
0xc: {  	s25 =	smul.u32 $0x13C00, s10;
	[dreg:$0x10] =	wrdreg s24;
	s15 =	simm.s32 $0x500  }
0xd: {  	s13 =	smul.u32 $0x4F000, s10;
	s17 =	simm.s32 $0x580;
	[dreg:$0x15] =	wrdreg s15  }
0xe: {  	s4 =	smul.u32 $0xC0000, s1;
	s18 =	simm.s32 $0x1000;
	[dreg:$0x17] =	wrdreg s17  }
0xf: {  	s8 =	smul.u32 $0x13C000, s1;
	s20 =	simm.s32 $0x1080;
	[dreg:$0x18] =	wrdreg s18  }
0x10: {  	s1 =	ssub.s32 $0x2, s1;
	s22 =	simm.s32 $0x1100;
	[dreg:$0x1a] =	wrdreg s20  }
0x11: {  	s24 =	simm.s32 $0x1180;
	s7 =	sadd.s32 s7, s0;
	[dreg:$0x1c] =	wrdreg s22  }
0x12: {  	s16 =	sshrl.u32 s13, $0x2;
	s13 =	simm.s32 $0xF00;
	[dreg:$0x1e] =	wrdreg s24  }
0x13: {  	s11 =	sshrl.u32 s1, $0x1;
	s26 =	sadd.s32 $0x1A00, s7;
	[dreg:$0x14] =	wrdreg s13  }
0x14: {  	s4 =	sadd.s32 s4, s6;
	s7 =	simm.s32 $0x80;
	[dreg:$0x5] =	wrdreg s26  }
0x15: {  	s6 =	sadd.s32 s25, s8;
	s8 =	simm.s32 $0x100;
	[dreg:$0x6] =	wrdreg s7  }
0x16: {  	s1 =	ssub.s32 s1, s11;
	s11 =	simm.s32 $0x480;
	[dreg:$0x7] =	wrdreg s8  }
0x17: {  	s26 =	simm.s32 $0x400;
	[dreg:$0x13] =	wrdreg s11  }
0x18: {  	s9 =	sshrl.u32 s4, $0x3;
	s1 =	smax.u32 s1, $0x1;
	[dreg:$0x11] =	wrdreg s26  }
0x19: {  	s4 =	sadd.s32 $0x19A00, s0;
	s5 =	sadd.s32 s9, s5;
	[smem:$0x7FC] =	sst s1  }
0x1a: {  	s6 =	sshrl.u32 s6, $0x3;
	s9 =	simm.s32 $0x180;
	[dreg:$0x4] =	wrdreg s5  }
0x1b: {  	s0 =	sadd.s32 s6, s0;
	s6 =	sadd.s32 s16, s2;
	[dreg:$0x8] =	wrdreg s9  }
0x1c: {  	s28 =	simm.s32 $0x3;
	s16 =	simm.s32 $0xF80;
	[smem:$0x7F9] =	sst s6  }
0x1d: {  	s29 =	simm.s32 $0x4;
	s26 =	simm.s32 $0x1200;
	[dreg:$0x16] =	wrdreg s16  }
0x1e: {  	s30 =	simm.s32 $0x5;
	s19 =	sadd.s32 $0x2000, s6;
	[smem:$0x7FD] =	sst s26  }
0x1f: {  	s31 =	simm.s32 $0x800;
	s21 =	sadd.s32 $0x4000, s6;
	[smem:$0x7F1] =	sst s19  }
0x20: {  	s17 =	simm.s32 $0x1800;
	s23 =	sadd.s32 $0x6000, s6;
	[smem:$0x7F2] =	sst s21  }
0x21: {  	s18 =	simm.s32 $0x6;
	s25 =	sadd.s32 $0x8000, s6;
	[smem:$0x7F3] =	sst s23  }
0x22: {  	s20 =	simm.s32 $0x40;
	s8 =	sadd.s32 $0xA000, s6;
	[smem:$0x7F4] =	sst s25  }
0x23: {  	s22 =	simm.s32 $0x5800;
	s10 =	sadd.s32 $0xC000, s6;
	[smem:$0x7F5] =	sst s8  }
0x24: {  	s24 =	simm.s32 $0x1;
	s9 =	simm.s32 $0xE80;
	[smem:$0x7F6] =	sst s10  }
0x25: {  	s13 =	simm.s32 $0x1580;
	s12 =	sadd.s32 $0xE000, s6;
	[dreg:$0x12] =	wrdreg s9  }
0x26: {  	s7 =	simm.s32 $0x900;
	s14 =	sadd.s32 $0x10000, s6;
	[smem:$0x7F7] =	sst s12  }
0x27: {  	s11 =	simm.s32 $0x1480;
	s6 =	sadd.s32 $0x12000, s6;
	[smem:$0x7F8] =	sst s14  }
0x28: {  	s1 =	simm.s32 $0x1280;
	s0 =	sadd.s32 $0xB5E00, s0;
	[smem:$0x7FA] =	sst s6  }
0x29: {  	s26 =	simm.s32 $0x2;
	[smem:$0x7FB] =	sst s0;
	s19 =	simm.s32 $0x600  }
0x2a: {  	s21 =	simm.s32 $0x680;
	s23 =	simm.s32 $0x700;
	s25 =	simm.s32 $0x780  }
0x2b: {  	s0 =	simm.s32 $0x880;
	s6 =	simm.s32 $0x1300;
	s8 =	simm.s32 $0x1380  }
0x2c: {  	s9 =	simm.s32 $0x980;
	s10 =	simm.s32 $0x1400;
	[dreg:$0x19] =	wrdreg s19  }
0x2d: {  	s12 =	simm.s32 $0x1500;
	s14 =	simm.s32 $0x0;
	[dreg:$0x1b] =	wrdreg s21  }
0x2e: {  	s19 =	simm.s32 $0xC00;
	s21 =	simm.s32 $0x3800;
	[dreg:$0x1d] =	wrdreg s23  }
0x2f: {  	v0 =	vimm.f32 $0.0e+00;
	s23 =	simm.s32 $0x7800;
	[dreg:$0x1f] =	wrdreg s25;
	s25 =	simm.s32 $0x9800  }
.LBB2_1:
0x30: {  	s15 =	simm.s32 $0x0;
	s16 =	simm.s32 $0x200  }
.LBB2_2:
0x31: {  	p0 =	sne.s32 s16, $0x7E00;
	[tilespmem:s15+$0x1870] =	vst v0  }
0x32: {  	[tilespmem:s15+$0x1800] =	vst v0  }
0x33: {  	[tilespmem:s15+$0x1810] =	vst v0  }
.Ltmp0:
0x34: {  	[tilespmem:s15+$0x1820] =	vst v0;
	(pc) =	sbr.rel @p0 .LBB2_2-.Ltmp0, $4  }
0x35: {  	[tilespmem:s15+$0x1830] =	vst v0  }
0x36: {  	[tilespmem:s15+$0x1840] =	vst v0  }
0x37: {  	[tilespmem:s15+$0x1850] =	vst v0  }
0x38: {  	[tilespmem:s15+$0x1860] =	vst v0;
	s15 =	sshra.s32 s16, $0x2;
	s16 =	sadd.s32 $0x200, s16  }
0x39: {  	[tilespmem:s15+$0x1870] =	vst v0  }
0x3a: {  	[tilespmem:s15+$0x1800] =	vst v0  }
0x3b: {  	[tilespmem:s15+$0x1810] =	vst v0  }
0x3c: {  	[tilespmem:s15+$0x1820] =	vst v0  }
0x3d: {  	[tilespmem:s15+$0x1830] =	vst v0  }
0x3e: {  	[tilespmem:s15+$0x1840] =	vst v0;
	s5 =	sld [smem:$0x7F9]  }
0x3f: {  	[tilespmem:s15+$0x1850] =	vst v0  }
0x40: {  	[smem:$0x7F0] =	sst s14;
	[tilespmem:s15+$0x1860] =	vst v0  }
0x41: {  	[spmem:s5] =	stream.linear.scatter [tilespmem:s17], [sflag:$0x6], $0x2000, $0x38;
	[tilespmem:$0x1F400] =	vst v63  }
0x42: {  	_ =	swait.ge [sflag:s18], $0x2000  }
0x43: {  	s14 =	sld [smem:$0x7F1]  }
0x44: {  	[sflag:s18] =	ssyncset.done $0x0  }
0x45: {  	[sflag:s18] =	ssyncadd.s32 $0xFFFFE000  }
0x46: {  	[spmem:s14] =	stream.linear.scatter [tilespmem:s17], [sflag:$0x6], $0x2000, $0x38;
	[tilespmem:$0x1F400] =	vst v63  }
0x47: {  	_ =	swait.ge [sflag:s18], $0x2000  }
0x48: {  	s15 =	sld [smem:$0x7F2]  }
0x49: {  	[sflag:s18] =	ssyncset.done $0x0  }
0x4a: {  	[sflag:s18] =	ssyncadd.s32 $0xFFFFE000  }
0x4b: {  	[spmem:s15] =	stream.linear.scatter [tilespmem:s17], [sflag:$0x6], $0x2000, $0x38;
	[tilespmem:$0x1F400] =	vst v63  }
0x4c: {  	_ =	swait.ge [sflag:s18], $0x2000  }
0x4d: {  	s16 =	sld [smem:$0x7F3]  }
0x4e: {  	[sflag:s18] =	ssyncset.done $0x0  }
0x4f: {  	[sflag:s18] =	ssyncadd.s32 $0xFFFFE000  }
0x50: {  	[spmem:s16] =	stream.linear.scatter [tilespmem:s17], [sflag:$0x6], $0x2000, $0x38;
	[tilespmem:$0x1F400] =	vst v63  }
0x51: {  	_ =	swait.ge [sflag:s18], $0x2000  }
0x52: {  	s14 =	sld [smem:$0x7F4]  }
0x53: {  	[sflag:s18] =	ssyncset.done $0x0  }
0x54: {  	[sflag:s18] =	ssyncadd.s32 $0xFFFFE000  }
0x55: {  	[spmem:s14] =	stream.linear.scatter [tilespmem:s17], [sflag:$0x6], $0x2000, $0x38;
	[tilespmem:$0x1F400] =	vst v63  }
0x56: {  	_ =	swait.ge [sflag:s18], $0x2000  }
0x57: {  	s15 =	sld [smem:$0x7F5]  }
0x58: {  	[sflag:s18] =	ssyncset.done $0x0  }
0x59: {  	[sflag:s18] =	ssyncadd.s32 $0xFFFFE000  }
0x5a: {  	[spmem:s15] =	stream.linear.scatter [tilespmem:s17], [sflag:$0x6], $0x2000, $0x38;
	[tilespmem:$0x1F400] =	vst v63  }
0x5b: {  	_ =	swait.ge [sflag:s18], $0x2000  }
0x5c: {  	s16 =	sld [smem:$0x7F6]  }
0x5d: {  	[sflag:s18] =	ssyncset.done $0x0  }
0x5e: {  	[sflag:s18] =	ssyncadd.s32 $0xFFFFE000  }
0x5f: {  	[spmem:s16] =	stream.linear.scatter [tilespmem:s17], [sflag:$0x6], $0x2000, $0x38;
	[tilespmem:$0x1F400] =	vst v63  }
0x60: {  	_ =	swait.ge [sflag:s18], $0x2000  }
0x61: {  	s14 =	sld [smem:$0x7F7]  }
0x62: {  	[sflag:s18] =	ssyncset.done $0x0  }
0x63: {  	[sflag:s18] =	ssyncadd.s32 $0xFFFFE000  }
0x64: {  	[spmem:s14] =	stream.linear.scatter [tilespmem:s17], [sflag:$0x6], $0x2000, $0x38;
	[tilespmem:$0x1F400] =	vst v63  }
0x65: {  	_ =	swait.ge [sflag:s18], $0x2000  }
0x66: {  	s15 =	sld [smem:$0x7F8]  }
0x67: {  	[sflag:s18] =	ssyncset.done $0x0  }
0x68: {  	[sflag:s18] =	ssyncadd.s32 $0xFFFFE000  }
0x69: {  	[spmem:s15] =	stream.linear.scatter [tilespmem:s17], [sflag:$0x6], $0x2000, $0x38;
	[tilespmem:$0x1F400] =	vst v63  }
0x6a: {  	_ =	swait.ge [sflag:s18], $0x2000  }
0x6b: {  	s16 =	sld [smem:$0x7FA]  }
0x6c: {  	[sflag:s18] =	ssyncset.done $0x0  }
0x6d: {  	[sflag:s18] =	ssyncadd.s32 $0xFFFFE000  }
0x6e: {  	[spmem:s16] =	stream.linear.scatter [tilespmem:s17], [sflag:$0x6], $0x1C00, $0x38;
	[tilespmem:$0x1F400] =	vst v63  }
0x6f: {  	_ =	swait.ge [sflag:s18], $0x1C00  }
0x70: {  	[sflag:s18] =	ssyncset.done $0x0  }
0x71: {  	[sflag:s18] =	ssyncadd.s32 $0xFFFFE400  }
0x72: {  	[bflag:$0x0] =	sbarrier.arrive $0xFFFF  }
0x73: {  	s14 =	rddreg [dreg:$0x4]  }
0x74: {  	s5 =	sadd.s32 $0x0, s14  }
0x75: {  	[tilespmem:s3], [sflag:$0x6] =	stream.linear.gather [hbm4b:s5+s3], $0xA00, $0x38;
	[tilespmem:$0x1F400] =	vst v63  }
0x76: {  	_ =	swait.ge [sflag:s18], $0xA00  }
0x77: {  	s15 =	rddreg [dreg:$0x5];
	[sflag:s18] =	ssyncset.done $0x0  }
0x78: {  	[sflag:s18] =	ssyncadd.s32 $0xFFFFF600;
	s5 =	sadd.s32 $0x0, s15  }
0x79: {  	[tilespmem:s19], [sflag:$0x6] =	stream.linear.gather [hbm4b:s5+s3], $0xA00, $0x38;
	[tilespmem:$0x1F400] =	vst v63  }
0x7a: {  	_ =	swait.ge [sflag:s18], $0xA00  }
0x7b: {  	[sflag:s18] =	ssyncset.done $0x0  }
0x7c: {  	[sflag:s18] =	ssyncadd.s32 $0xFFFFF600  }
0x7d: {  	[tilespmem:s17], [sflag:$0x1] =	stream.indirect.gather [hbm4b:s4+s20], $0x80, s3, s20, $0xb8;
	[tilespmem:$0x1F400] =	vst v63  }
0x7e: {  	s16 =	rddreg [dreg:$0x6]  }
0x7f: {  	[tilespmem:s21], [sflag:$0x2] =	stream.indirect.gather [hbm4b:s4+s20], $0x80, s16, s20, $0xb8;
	[tilespmem:$0x1F400] =	vst v63  }
0x80: {  	s14 =	rddreg [dreg:$0x7]  }
0x81: {  	[tilespmem:s22], [sflag:$0x3] =	stream.indirect.gather [hbm4b:s4+s20], $0x80, s14, s20, $0xb8;
	[tilespmem:$0x1F400] =	vst v63  }
0x82: {  	s16 =	rddreg [dreg:$0x8]  }
0x83: {  	[tilespmem:s23], [sflag:$0x4] =	stream.indirect.gather [hbm4b:s4+s20], $0x80, s16, s20, $0xb8;
	[tilespmem:$0x1F400] =	vst v63  }
0x84: {  	_ =	swait.ge [sflag:s24], $0x2000  }
0x85: {  	[sflag:s24] =	ssyncset.done $0x0  }
0x86: {  	[sflag:s24] =	ssyncadd.s32 $0xFFFFE000  }
0x87: {  	[spmem:s2] =	stream.indirect.scatter.add.f32 [tilespmem:s17], [sflag:$0x6], $0x80, s19, s20, $0xb8;
	[tilespmem:$0x1F400] =	vst v63  }
0x88: {  	_ =	swait.ge [sflag:s18], $0x2000  }
0x89: {  	[sflag:s18] =	ssyncset.done $0x0  }
0x8a: {  	s14 =	rddreg [dreg:$0x9];
	[sflag:s18] =	ssyncadd.s32 $0xFFFFE000  }
0x8b: {  	[tilespmem:s25], [sflag:$0x5] =	stream.indirect.gather [hbm4b:s4+s20], $0x80, s14, s20, $0xb8;
	[tilespmem:$0x1F400] =	vst v63  }
0x8c: {  	_ =	swait.ge [sflag:s26], $0x2000  }
0x8d: {  	[sflag:s26] =	ssyncset.done $0x0  }
0x8e: {  	s15 =	rddreg [dreg:$0xa];
	[sflag:s26] =	ssyncadd.s32 $0xFFFFE000  }
0x8f: {  	[spmem:s2] =	stream.indirect.scatter.add.f32 [tilespmem:s21], [sflag:$0x6], $0x80, s15, s20, $0xb8;
	[tilespmem:$0x1F400] =	vst v63  }
0x90: {  	_ =	swait.ge [sflag:s18], $0x2000  }
0x91: {  	[sflag:s18] =	ssyncset.done $0x0  }
0x92: {  	s16 =	rddreg [dreg:$0xb];
	[sflag:s18] =	ssyncadd.s32 $0xFFFFE000  }
0x93: {  	[tilespmem:s17], [sflag:$0x1] =	stream.indirect.gather [hbm4b:s4+s20], $0x80, s16, s20, $0xb8;
	[tilespmem:$0x1F400] =	vst v63  }
0x94: {  	_ =	swait.ge [sflag:s28], $0x2000  }
0x95: {  	[sflag:s28] =	ssyncset.done $0x0  }
0x96: {  	s14 =	rddreg [dreg:$0xc];
	[sflag:s28] =	ssyncadd.s32 $0xFFFFE000  }
0x97: {  	[spmem:s2] =	stream.indirect.scatter.add.f32 [tilespmem:s22], [sflag:$0x6], $0x80, s14, s20, $0xb8;
	[tilespmem:$0x1F400] =	vst v63  }
0x98: {  	_ =	swait.ge [sflag:s18], $0x2000  }
0x99: {  	[sflag:s18] =	ssyncset.done $0x0  }
0x9a: {  	s15 =	rddreg [dreg:$0xd];
	[sflag:s18] =	ssyncadd.s32 $0xFFFFE000  }
0x9b: {  	[tilespmem:s21], [sflag:$0x2] =	stream.indirect.gather [hbm4b:s4+s20], $0x80, s15, s20, $0xb8;
	[tilespmem:$0x1F400] =	vst v63  }
0x9c: {  	_ =	swait.ge [sflag:s29], $0x2000  }
0x9d: {  	[sflag:s29] =	ssyncset.done $0x0  }
0x9e: {  	s16 =	rddreg [dreg:$0xe];
	[sflag:s29] =	ssyncadd.s32 $0xFFFFE000  }
0x9f: {  	[spmem:s2] =	stream.indirect.scatter.add.f32 [tilespmem:s23], [sflag:$0x6], $0x80, s16, s20, $0xb8;
	[tilespmem:$0x1F400] =	vst v63  }
0xa0: {  	_ =	swait.ge [sflag:s18], $0x2000  }
0xa1: {  	[sflag:s18] =	ssyncset.done $0x0  }
0xa2: {  	s14 =	rddreg [dreg:$0xf];
	[sflag:s18] =	ssyncadd.s32 $0xFFFFE000  }
0xa3: {  	[tilespmem:s22], [sflag:$0x3] =	stream.indirect.gather [hbm4b:s4+s20], $0x80, s14, s20, $0xb8;
	[tilespmem:$0x1F400] =	vst v63  }
0xa4: {  	_ =	swait.ge [sflag:s30], $0x2000  }
0xa5: {  	[sflag:s30] =	ssyncset.done $0x0  }
0xa6: {  	s15 =	rddreg [dreg:$0x10];
	[sflag:s30] =	ssyncadd.s32 $0xFFFFE000  }
0xa7: {  	[spmem:s2] =	stream.indirect.scatter.add.f32 [tilespmem:s25], [sflag:$0x6], $0x80, s15, s20, $0xb8;
	[tilespmem:$0x1F400] =	vst v63  }
0xa8: {  	_ =	swait.ge [sflag:s18], $0x2000  }
0xa9: {  	[sflag:s18] =	ssyncset.done $0x0  }
0xaa: {  	s16 =	rddreg [dreg:$0x11];
	[sflag:s18] =	ssyncadd.s32 $0xFFFFE000  }
0xab: {  	[tilespmem:s23], [sflag:$0x4] =	stream.indirect.gather [hbm4b:s4+s20], $0x80, s16, s20, $0xb8;
	[tilespmem:$0x1F400] =	vst v63  }
0xac: {  	_ =	swait.ge [sflag:s24], $0x2000  }
0xad: {  	[sflag:s24] =	ssyncset.done $0x0  }
0xae: {  	s14 =	rddreg [dreg:$0x12];
	[sflag:s24] =	ssyncadd.s32 $0xFFFFE000  }
0xaf: {  	[spmem:s2] =	stream.indirect.scatter.add.f32 [tilespmem:s17], [sflag:$0x6], $0x80, s14, s20, $0xb8;
	[tilespmem:$0x1F400] =	vst v63  }
0xb0: {  	_ =	swait.ge [sflag:s18], $0x2000  }
0xb1: {  	[sflag:s18] =	ssyncset.done $0x0  }
0xb2: {  	s15 =	rddreg [dreg:$0x13];
	[sflag:s18] =	ssyncadd.s32 $0xFFFFE000  }
0xb3: {  	[tilespmem:s25], [sflag:$0x5] =	stream.indirect.gather [hbm4b:s4+s20], $0x80, s15, s20, $0xb8;
	[tilespmem:$0x1F400] =	vst v63  }
0xb4: {  	_ =	swait.ge [sflag:s26], $0x2000  }
0xb5: {  	[sflag:s26] =	ssyncset.done $0x0  }
0xb6: {  	s16 =	rddreg [dreg:$0x14];
	[sflag:s26] =	ssyncadd.s32 $0xFFFFE000  }
0xb7: {  	[spmem:s2] =	stream.indirect.scatter.add.f32 [tilespmem:s21], [sflag:$0x6], $0x80, s16, s20, $0xb8;
	[tilespmem:$0x1F400] =	vst v63  }
0xb8: {  	_ =	swait.ge [sflag:s18], $0x2000  }
0xb9: {  	[sflag:s18] =	ssyncset.done $0x0  }
0xba: {  	s14 =	rddreg [dreg:$0x15];
	[sflag:s18] =	ssyncadd.s32 $0xFFFFE000  }
0xbb: {  	[tilespmem:s17], [sflag:$0x1] =	stream.indirect.gather [hbm4b:s4+s20], $0x80, s14, s20, $0xb8;
	[tilespmem:$0x1F400] =	vst v63  }
0xbc: {  	_ =	swait.ge [sflag:s28], $0x2000  }
0xbd: {  	[sflag:s28] =	ssyncset.done $0x0  }
0xbe: {  	s15 =	rddreg [dreg:$0x16];
	[sflag:s28] =	ssyncadd.s32 $0xFFFFE000  }
0xbf: {  	[spmem:s2] =	stream.indirect.scatter.add.f32 [tilespmem:s22], [sflag:$0x6], $0x80, s15, s20, $0xb8;
	[tilespmem:$0x1F400] =	vst v63  }
0xc0: {  	_ =	swait.ge [sflag:s18], $0x2000  }
0xc1: {  	[sflag:s18] =	ssyncset.done $0x0  }
0xc2: {  	s16 =	rddreg [dreg:$0x17];
	[sflag:s18] =	ssyncadd.s32 $0xFFFFE000  }
0xc3: {  	[tilespmem:s21], [sflag:$0x2] =	stream.indirect.gather [hbm4b:s4+s20], $0x80, s16, s20, $0xb8;
	[tilespmem:$0x1F400] =	vst v63  }
0xc4: {  	_ =	swait.ge [sflag:s29], $0x2000  }
0xc5: {  	[sflag:s29] =	ssyncset.done $0x0  }
0xc6: {  	s14 =	rddreg [dreg:$0x18];
	[sflag:s29] =	ssyncadd.s32 $0xFFFFE000  }
0xc7: {  	[spmem:s2] =	stream.indirect.scatter.add.f32 [tilespmem:s23], [sflag:$0x6], $0x80, s14, s20, $0xb8;
	[tilespmem:$0x1F400] =	vst v63  }
0xc8: {  	_ =	swait.ge [sflag:s18], $0x2000  }
0xc9: {  	[sflag:s18] =	ssyncset.done $0x0  }
0xca: {  	s15 =	rddreg [dreg:$0x19];
	[sflag:s18] =	ssyncadd.s32 $0xFFFFE000  }
0xcb: {  	[tilespmem:s22], [sflag:$0x3] =	stream.indirect.gather [hbm4b:s4+s20], $0x80, s15, s20, $0xb8;
	[tilespmem:$0x1F400] =	vst v63  }
0xcc: {  	_ =	swait.ge [sflag:s30], $0x2000  }
0xcd: {  	[sflag:s30] =	ssyncset.done $0x0  }
0xce: {  	s16 =	rddreg [dreg:$0x1a];
	[sflag:s30] =	ssyncadd.s32 $0xFFFFE000  }
0xcf: {  	[spmem:s2] =	stream.indirect.scatter.add.f32 [tilespmem:s25], [sflag:$0x6], $0x80, s16, s20, $0xb8;
	[tilespmem:$0x1F400] =	vst v63  }
0xd0: {  	_ =	swait.ge [sflag:s18], $0x2000  }
0xd1: {  	[sflag:s18] =	ssyncset.done $0x0  }
0xd2: {  	s14 =	rddreg [dreg:$0x1b];
	[sflag:s18] =	ssyncadd.s32 $0xFFFFE000  }
0xd3: {  	[tilespmem:s23], [sflag:$0x4] =	stream.indirect.gather [hbm4b:s4+s20], $0x80, s14, s20, $0xb8;
	[tilespmem:$0x1F400] =	vst v63  }
0xd4: {  	_ =	swait.ge [sflag:s24], $0x2000  }
0xd5: {  	[sflag:s24] =	ssyncset.done $0x0  }
0xd6: {  	s15 =	rddreg [dreg:$0x1c];
	[sflag:s24] =	ssyncadd.s32 $0xFFFFE000  }
0xd7: {  	[spmem:s2] =	stream.indirect.scatter.add.f32 [tilespmem:s17], [sflag:$0x6], $0x80, s15, s20, $0xb8;
	[tilespmem:$0x1F400] =	vst v63  }
0xd8: {  	_ =	swait.ge [sflag:s18], $0x2000  }
0xd9: {  	[sflag:s18] =	ssyncset.done $0x0  }
0xda: {  	s16 =	rddreg [dreg:$0x1d];
	[sflag:s18] =	ssyncadd.s32 $0xFFFFE000  }
0xdb: {  	[tilespmem:s25], [sflag:$0x5] =	stream.indirect.gather [hbm4b:s4+s20], $0x80, s16, s20, $0xb8;
	[tilespmem:$0x1F400] =	vst v63  }
0xdc: {  	_ =	swait.ge [sflag:s26], $0x2000  }
0xdd: {  	[sflag:s26] =	ssyncset.done $0x0  }
0xde: {  	s14 =	rddreg [dreg:$0x1e];
	[sflag:s26] =	ssyncadd.s32 $0xFFFFE000  }
0xdf: {  	[spmem:s2] =	stream.indirect.scatter.add.f32 [tilespmem:s21], [sflag:$0x6], $0x80, s14, s20, $0xb8;
	[tilespmem:$0x1F400] =	vst v63  }
0xe0: {  	_ =	swait.ge [sflag:s18], $0x2000  }
0xe1: {  	[sflag:s18] =	ssyncset.done $0x0  }
0xe2: {  	s15 =	rddreg [dreg:$0x1f];
	[sflag:s18] =	ssyncadd.s32 $0xFFFFE000  }
0xe3: {  	[tilespmem:s17], [sflag:$0x1] =	stream.indirect.gather [hbm4b:s4+s20], $0x80, s15, s20, $0xb8;
	[tilespmem:$0x1F400] =	vst v63  }
0xe4: {  	_ =	swait.ge [sflag:s28], $0x2000  }
0xe5: {  	s16 =	sld [smem:$0x7FD]  }
0xe6: {  	[sflag:s28] =	ssyncset.done $0x0  }
0xe7: {  	[sflag:s28] =	ssyncadd.s32 $0xFFFFE000  }
0xe8: {  	[spmem:s2] =	stream.indirect.scatter.add.f32 [tilespmem:s22], [sflag:$0x6], $0x80, s16, s20, $0xb8;
	[tilespmem:$0x1F400] =	vst v63  }
0xe9: {  	_ =	swait.ge [sflag:s18], $0x2000  }
0xea: {  	[sflag:s18] =	ssyncset.done $0x0  }
0xeb: {  	[sflag:s18] =	ssyncadd.s32 $0xFFFFE000  }
0xec: {  	[tilespmem:s21], [sflag:$0x2] =	stream.indirect.gather [hbm4b:s4+s20], $0x80, s31, s20, $0xb8;
	[tilespmem:$0x1F400] =	vst v63  }
0xed: {  	_ =	swait.ge [sflag:s29], $0x2000  }
0xee: {  	[sflag:s29] =	ssyncset.done $0x0  }
0xef: {  	[sflag:s29] =	ssyncadd.s32 $0xFFFFE000  }
0xf0: {  	[spmem:s2] =	stream.indirect.scatter.add.f32 [tilespmem:s23], [sflag:$0x6], $0x80, s1, s20, $0xb8;
	[tilespmem:$0x1F400] =	vst v63  }
0xf1: {  	_ =	swait.ge [sflag:s18], $0x2000  }
0xf2: {  	[sflag:s18] =	ssyncset.done $0x0  }
0xf3: {  	[sflag:s18] =	ssyncadd.s32 $0xFFFFE000  }
0xf4: {  	[tilespmem:s22], [sflag:$0x3] =	stream.indirect.gather [hbm4b:s4+s20], $0x80, s0, s20, $0xb8;
	[tilespmem:$0x1F400] =	vst v63  }
0xf5: {  	_ =	swait.ge [sflag:s30], $0x2000  }
0xf6: {  	[sflag:s30] =	ssyncset.done $0x0  }
0xf7: {  	[sflag:s30] =	ssyncadd.s32 $0xFFFFE000  }
0xf8: {  	[spmem:s2] =	stream.indirect.scatter.add.f32 [tilespmem:s25], [sflag:$0x6], $0x80, s6, s20, $0xb8;
	[tilespmem:$0x1F400] =	vst v63  }
0xf9: {  	_ =	swait.ge [sflag:s18], $0x2000  }
0xfa: {  	[sflag:s18] =	ssyncset.done $0x0  }
0xfb: {  	[sflag:s18] =	ssyncadd.s32 $0xFFFFE000  }
0xfc: {  	[tilespmem:s23], [sflag:$0x4] =	stream.indirect.gather [hbm4b:s4+s20], $0x80, s7, s20, $0xb8;
	[tilespmem:$0x1F400] =	vst v63  }
0xfd: {  	_ =	swait.ge [sflag:s24], $0x2000  }
0xfe: {  	[sflag:s24] =	ssyncset.done $0x0  }
0xff: {  	[sflag:s24] =	ssyncadd.s32 $0xFFFFE000  }
0x100: {  	[spmem:s2] =	stream.indirect.scatter.add.f32 [tilespmem:s17], [sflag:$0x6], $0x80, s8, s20, $0xb8;
	[tilespmem:$0x1F400] =	vst v63  }
0x101: {  	_ =	swait.ge [sflag:s18], $0x2000  }
0x102: {  	[sflag:s18] =	ssyncset.done $0x0  }
0x103: {  	[sflag:s18] =	ssyncadd.s32 $0xFFFFE000  }
0x104: {  	[tilespmem:s25], [sflag:$0x5] =	stream.indirect.gather [hbm4b:s4+s20], $0x80, s9, s20, $0xb8;
	[tilespmem:$0x1F400] =	vst v63  }
0x105: {  	_ =	swait.ge [sflag:s26], $0x2000  }
0x106: {  	[sflag:s26] =	ssyncset.done $0x0  }
0x107: {  	[sflag:s26] =	ssyncadd.s32 $0xFFFFE000  }
0x108: {  	[spmem:s2] =	stream.indirect.scatter.add.f32 [tilespmem:s21], [sflag:$0x6], $0x80, s10, s20, $0xb8;
	[tilespmem:$0x1F400] =	vst v63  }
0x109: {  	_ =	swait.ge [sflag:s18], $0x2000  }
0x10a: {  	[sflag:s18] =	ssyncset.done $0x0  }
0x10b: {  	[sflag:s18] =	ssyncadd.s32 $0xFFFFE000  }
0x10c: {  	_ =	swait.ge [sflag:s28], $0x2000  }
0x10d: {  	[sflag:s28] =	ssyncset.done $0x0  }
0x10e: {  	[sflag:s28] =	ssyncadd.s32 $0xFFFFE000  }
0x10f: {  	[spmem:s2] =	stream.indirect.scatter.add.f32 [tilespmem:s22], [sflag:$0x6], $0x80, s11, s20, $0xb8;
	[tilespmem:$0x1F400] =	vst v63  }
0x110: {  	_ =	swait.ge [sflag:s18], $0x2000  }
0x111: {  	[sflag:s18] =	ssyncset.done $0x0  }
0x112: {  	[sflag:s18] =	ssyncadd.s32 $0xFFFFE000  }
0x113: {  	_ =	swait.ge [sflag:s29], $0x2000  }
0x114: {  	[sflag:s29] =	ssyncset.done $0x0  }
0x115: {  	[sflag:s29] =	ssyncadd.s32 $0xFFFFE000  }
0x116: {  	[spmem:s2] =	stream.indirect.scatter.add.f32 [tilespmem:s23], [sflag:$0x6], $0x80, s12, s20, $0xb8;
	[tilespmem:$0x1F400] =	vst v63  }
0x117: {  	_ =	swait.ge [sflag:s18], $0x2000  }
0x118: {  	[sflag:s18] =	ssyncset.done $0x0  }
0x119: {  	[sflag:s18] =	ssyncadd.s32 $0xFFFFE000  }
0x11a: {  	_ =	swait.ge [sflag:s30], $0x2000  }
0x11b: {  	[sflag:s30] =	ssyncset.done $0x0  }
0x11c: {  	[sflag:s30] =	ssyncadd.s32 $0xFFFFE000  }
0x11d: {  	[spmem:s2] =	stream.indirect.scatter.add.f32 [tilespmem:s25], [sflag:$0x6], $0x80, s13, s20, $0xb8;
	[tilespmem:$0x1F400] =	vst v63  }
0x11e: {  	s15 =	simm.s32 $0x180;
	_ =	swait.ge [sflag:s18], $0x2000  }
0x11f: {  	s16 =	simm.s32 $0x300;
	s5 =	rddreg [dreg:$0x4];
	[sflag:s18] =	ssyncset.done $0x0  }
.LBB2_4:
0x120: {  	[sflag:s18] =	ssyncadd.s32 $0xFFFFE000;
	s5 =	sadd.s32 s15, s5  }
0x121: {  	[tilespmem:s3], [sflag:$0x6] =	stream.linear.gather [hbm4b:s5+s3], $0xA00, $0x38;
	[tilespmem:$0x1F400] =	vst v63  }
0x122: {  	_ =	swait.ge [sflag:s18], $0xA00  }
0x123: {  	s5 =	rddreg [dreg:$0x5];
	[sflag:s18] =	ssyncset.done $0x0  }
0x124: {  	[sflag:s18] =	ssyncadd.s32 $0xFFFFF600;
	s5 =	sadd.s32 s15, s5  }
0x125: {  	[tilespmem:s19], [sflag:$0x6] =	stream.linear.gather [hbm4b:s5+s3], $0xA00, $0x38;
	[tilespmem:$0x1F400] =	vst v63  }
0x126: {  	_ =	swait.ge [sflag:s18], $0xA00  }
0x127: {  	[sflag:s18] =	ssyncset.done $0x0  }
0x128: {  	[sflag:s18] =	ssyncadd.s32 $0xFFFFF600  }
0x129: {  	[tilespmem:s17], [sflag:$0x1] =	stream.indirect.gather [hbm4b:s4+s20], $0x80, s3, s20, $0xb8;
	[tilespmem:$0x1F400] =	vst v63  }
0x12a: {  	s14 =	smov.u32 s16;
	s5 =	rddreg [dreg:$0x6]  }
0x12b: {  	[tilespmem:s21], [sflag:$0x2] =	stream.indirect.gather [hbm4b:s4+s20], $0x80, s5, s20, $0xb8;
	[tilespmem:$0x1F400] =	vst v63  }
0x12c: {  	s15 =	smov.u32 s14;
	s14 =	rddreg [dreg:$0x7]  }
0x12d: {  	[tilespmem:s22], [sflag:$0x3] =	stream.indirect.gather [hbm4b:s4+s20], $0x80, s14, s20, $0xb8;
	[tilespmem:$0x1F400] =	vst v63  }
0x12e: {  	s5 =	rddreg [dreg:$0x8]  }
0x12f: {  	[tilespmem:s23], [sflag:$0x4] =	stream.indirect.gather [hbm4b:s4+s20], $0x80, s5, s20, $0xb8;
	[tilespmem:$0x1F400] =	vst v63  }
0x130: {  	_ =	swait.ge [sflag:s24], $0x2000  }
0x131: {  	[sflag:s24] =	ssyncset.done $0x0  }
0x132: {  	[sflag:s24] =	ssyncadd.s32 $0xFFFFE000  }
0x133: {  	[spmem:s2] =	stream.indirect.scatter.add.f32 [tilespmem:s17], [sflag:$0x6], $0x80, s19, s20, $0xb8;
	[tilespmem:$0x1F400] =	vst v63  }
0x134: {  	_ =	swait.ge [sflag:s18], $0x2000  }
0x135: {  	[sflag:s18] =	ssyncset.done $0x0  }
0x136: {  	s14 =	rddreg [dreg:$0x9];
	[sflag:s18] =	ssyncadd.s32 $0xFFFFE000  }
0x137: {  	[tilespmem:s25], [sflag:$0x5] =	stream.indirect.gather [hbm4b:s4+s20], $0x80, s14, s20, $0xb8;
	[tilespmem:$0x1F400] =	vst v63  }
0x138: {  	_ =	swait.ge [sflag:s26], $0x2000  }
0x139: {  	[sflag:s26] =	ssyncset.done $0x0  }
0x13a: {  	s14 =	rddreg [dreg:$0xa];
	[sflag:s26] =	ssyncadd.s32 $0xFFFFE000  }
0x13b: {  	[spmem:s2] =	stream.indirect.scatter.add.f32 [tilespmem:s21], [sflag:$0x6], $0x80, s14, s20, $0xb8;
	[tilespmem:$0x1F400] =	vst v63  }
0x13c: {  	_ =	swait.ge [sflag:s18], $0x2000  }
0x13d: {  	[sflag:s18] =	ssyncset.done $0x0  }
0x13e: {  	s14 =	rddreg [dreg:$0xb];
	[sflag:s18] =	ssyncadd.s32 $0xFFFFE000  }
0x13f: {  	[tilespmem:s17], [sflag:$0x1] =	stream.indirect.gather [hbm4b:s4+s20], $0x80, s14, s20, $0xb8;
	[tilespmem:$0x1F400] =	vst v63  }
0x140: {  	_ =	swait.ge [sflag:s28], $0x2000  }
0x141: {  	[sflag:s28] =	ssyncset.done $0x0  }
0x142: {  	s14 =	rddreg [dreg:$0xc];
	[sflag:s28] =	ssyncadd.s32 $0xFFFFE000  }
0x143: {  	[spmem:s2] =	stream.indirect.scatter.add.f32 [tilespmem:s22], [sflag:$0x6], $0x80, s14, s20, $0xb8;
	[tilespmem:$0x1F400] =	vst v63  }
0x144: {  	_ =	swait.ge [sflag:s18], $0x2000  }
0x145: {  	[sflag:s18] =	ssyncset.done $0x0  }
0x146: {  	s14 =	rddreg [dreg:$0xd];
	[sflag:s18] =	ssyncadd.s32 $0xFFFFE000  }
0x147: {  	[tilespmem:s21], [sflag:$0x2] =	stream.indirect.gather [hbm4b:s4+s20], $0x80, s14, s20, $0xb8;
	[tilespmem:$0x1F400] =	vst v63  }
0x148: {  	_ =	swait.ge [sflag:s29], $0x2000  }
0x149: {  	[sflag:s29] =	ssyncset.done $0x0  }
0x14a: {  	s14 =	rddreg [dreg:$0xe];
	[sflag:s29] =	ssyncadd.s32 $0xFFFFE000  }
0x14b: {  	[spmem:s2] =	stream.indirect.scatter.add.f32 [tilespmem:s23], [sflag:$0x6], $0x80, s14, s20, $0xb8;
	[tilespmem:$0x1F400] =	vst v63  }
0x14c: {  	_ =	swait.ge [sflag:s18], $0x2000  }
0x14d: {  	[sflag:s18] =	ssyncset.done $0x0  }
0x14e: {  	s14 =	rddreg [dreg:$0xf];
	[sflag:s18] =	ssyncadd.s32 $0xFFFFE000  }
0x14f: {  	[tilespmem:s22], [sflag:$0x3] =	stream.indirect.gather [hbm4b:s4+s20], $0x80, s14, s20, $0xb8;
	[tilespmem:$0x1F400] =	vst v63  }
0x150: {  	_ =	swait.ge [sflag:s30], $0x2000  }
0x151: {  	[sflag:s30] =	ssyncset.done $0x0  }
0x152: {  	s14 =	rddreg [dreg:$0x10];
	[sflag:s30] =	ssyncadd.s32 $0xFFFFE000  }
0x153: {  	[spmem:s2] =	stream.indirect.scatter.add.f32 [tilespmem:s25], [sflag:$0x6], $0x80, s14, s20, $0xb8;
	[tilespmem:$0x1F400] =	vst v63  }
0x154: {  	_ =	swait.ge [sflag:s18], $0x2000  }
0x155: {  	[sflag:s18] =	ssyncset.done $0x0  }
0x156: {  	s14 =	rddreg [dreg:$0x11];
	[sflag:s18] =	ssyncadd.s32 $0xFFFFE000  }
0x157: {  	[tilespmem:s23], [sflag:$0x4] =	stream.indirect.gather [hbm4b:s4+s20], $0x80, s14, s20, $0xb8;
	[tilespmem:$0x1F400] =	vst v63  }
0x158: {  	_ =	swait.ge [sflag:s24], $0x2000  }
0x159: {  	[sflag:s24] =	ssyncset.done $0x0  }
0x15a: {  	s14 =	rddreg [dreg:$0x12];
	[sflag:s24] =	ssyncadd.s32 $0xFFFFE000  }
0x15b: {  	[spmem:s2] =	stream.indirect.scatter.add.f32 [tilespmem:s17], [sflag:$0x6], $0x80, s14, s20, $0xb8;
	[tilespmem:$0x1F400] =	vst v63  }
0x15c: {  	_ =	swait.ge [sflag:s18], $0x2000  }
0x15d: {  	[sflag:s18] =	ssyncset.done $0x0  }
0x15e: {  	s14 =	rddreg [dreg:$0x13];
	[sflag:s18] =	ssyncadd.s32 $0xFFFFE000  }
0x15f: {  	[tilespmem:s25], [sflag:$0x5] =	stream.indirect.gather [hbm4b:s4+s20], $0x80, s14, s20, $0xb8;
	[tilespmem:$0x1F400] =	vst v63  }
0x160: {  	_ =	swait.ge [sflag:s26], $0x2000  }
0x161: {  	[sflag:s26] =	ssyncset.done $0x0  }
0x162: {  	s14 =	rddreg [dreg:$0x14];
	[sflag:s26] =	ssyncadd.s32 $0xFFFFE000  }
0x163: {  	[spmem:s2] =	stream.indirect.scatter.add.f32 [tilespmem:s21], [sflag:$0x6], $0x80, s14, s20, $0xb8;
	[tilespmem:$0x1F400] =	vst v63  }
0x164: {  	_ =	swait.ge [sflag:s18], $0x2000  }
0x165: {  	[sflag:s18] =	ssyncset.done $0x0  }
0x166: {  	s14 =	rddreg [dreg:$0x15];
	[sflag:s18] =	ssyncadd.s32 $0xFFFFE000  }
0x167: {  	[tilespmem:s17], [sflag:$0x1] =	stream.indirect.gather [hbm4b:s4+s20], $0x80, s14, s20, $0xb8;
	[tilespmem:$0x1F400] =	vst v63  }
0x168: {  	_ =	swait.ge [sflag:s28], $0x2000  }
0x169: {  	[sflag:s28] =	ssyncset.done $0x0  }
0x16a: {  	s14 =	rddreg [dreg:$0x16];
	[sflag:s28] =	ssyncadd.s32 $0xFFFFE000  }
0x16b: {  	[spmem:s2] =	stream.indirect.scatter.add.f32 [tilespmem:s22], [sflag:$0x6], $0x80, s14, s20, $0xb8;
	[tilespmem:$0x1F400] =	vst v63  }
0x16c: {  	_ =	swait.ge [sflag:s18], $0x2000  }
0x16d: {  	[sflag:s18] =	ssyncset.done $0x0  }
0x16e: {  	s14 =	rddreg [dreg:$0x17];
	[sflag:s18] =	ssyncadd.s32 $0xFFFFE000  }
0x16f: {  	[tilespmem:s21], [sflag:$0x2] =	stream.indirect.gather [hbm4b:s4+s20], $0x80, s14, s20, $0xb8;
	[tilespmem:$0x1F400] =	vst v63  }
0x170: {  	_ =	swait.ge [sflag:s29], $0x2000  }
0x171: {  	[sflag:s29] =	ssyncset.done $0x0  }
0x172: {  	s14 =	rddreg [dreg:$0x18];
	[sflag:s29] =	ssyncadd.s32 $0xFFFFE000  }
0x173: {  	[spmem:s2] =	stream.indirect.scatter.add.f32 [tilespmem:s23], [sflag:$0x6], $0x80, s14, s20, $0xb8;
	[tilespmem:$0x1F400] =	vst v63  }
0x174: {  	_ =	swait.ge [sflag:s18], $0x2000  }
0x175: {  	[sflag:s18] =	ssyncset.done $0x0  }
0x176: {  	s14 =	rddreg [dreg:$0x19];
	[sflag:s18] =	ssyncadd.s32 $0xFFFFE000  }
0x177: {  	[tilespmem:s22], [sflag:$0x3] =	stream.indirect.gather [hbm4b:s4+s20], $0x80, s14, s20, $0xb8;
	[tilespmem:$0x1F400] =	vst v63  }
0x178: {  	_ =	swait.ge [sflag:s30], $0x2000  }
0x179: {  	[sflag:s30] =	ssyncset.done $0x0  }
0x17a: {  	s14 =	rddreg [dreg:$0x1a];
	[sflag:s30] =	ssyncadd.s32 $0xFFFFE000  }
0x17b: {  	[spmem:s2] =	stream.indirect.scatter.add.f32 [tilespmem:s25], [sflag:$0x6], $0x80, s14, s20, $0xb8;
	[tilespmem:$0x1F400] =	vst v63  }
0x17c: {  	_ =	swait.ge [sflag:s18], $0x2000  }
0x17d: {  	[sflag:s18] =	ssyncset.done $0x0  }
0x17e: {  	s14 =	rddreg [dreg:$0x1b];
	[sflag:s18] =	ssyncadd.s32 $0xFFFFE000  }
0x17f: {  	[tilespmem:s23], [sflag:$0x4] =	stream.indirect.gather [hbm4b:s4+s20], $0x80, s14, s20, $0xb8;
	[tilespmem:$0x1F400] =	vst v63  }
0x180: {  	_ =	swait.ge [sflag:s24], $0x2000  }
0x181: {  	[sflag:s24] =	ssyncset.done $0x0  }
0x182: {  	s14 =	rddreg [dreg:$0x1c];
	[sflag:s24] =	ssyncadd.s32 $0xFFFFE000  }
0x183: {  	[spmem:s2] =	stream.indirect.scatter.add.f32 [tilespmem:s17], [sflag:$0x6], $0x80, s14, s20, $0xb8;
	[tilespmem:$0x1F400] =	vst v63  }
0x184: {  	_ =	swait.ge [sflag:s18], $0x2000  }
0x185: {  	[sflag:s18] =	ssyncset.done $0x0  }
0x186: {  	s14 =	rddreg [dreg:$0x1d];
	[sflag:s18] =	ssyncadd.s32 $0xFFFFE000  }
0x187: {  	[tilespmem:s25], [sflag:$0x5] =	stream.indirect.gather [hbm4b:s4+s20], $0x80, s14, s20, $0xb8;
	[tilespmem:$0x1F400] =	vst v63  }
0x188: {  	_ =	swait.ge [sflag:s26], $0x2000  }
0x189: {  	[sflag:s26] =	ssyncset.done $0x0  }
0x18a: {  	s14 =	rddreg [dreg:$0x1e];
	[sflag:s26] =	ssyncadd.s32 $0xFFFFE000  }
0x18b: {  	[spmem:s2] =	stream.indirect.scatter.add.f32 [tilespmem:s21], [sflag:$0x6], $0x80, s14, s20, $0xb8;
	[tilespmem:$0x1F400] =	vst v63  }
0x18c: {  	_ =	swait.ge [sflag:s18], $0x2000  }
0x18d: {  	[sflag:s18] =	ssyncset.done $0x0  }
0x18e: {  	s14 =	rddreg [dreg:$0x1f];
	[sflag:s18] =	ssyncadd.s32 $0xFFFFE000  }
0x18f: {  	[tilespmem:s17], [sflag:$0x1] =	stream.indirect.gather [hbm4b:s4+s20], $0x80, s14, s20, $0xb8;
	[tilespmem:$0x1F400] =	vst v63  }
0x190: {  	_ =	swait.ge [sflag:s28], $0x2000  }
0x191: {  	s14 =	sld [smem:$0x7FD]  }
0x192: {  	[sflag:s28] =	ssyncset.done $0x0  }
0x193: {  	[sflag:s28] =	ssyncadd.s32 $0xFFFFE000  }
0x194: {  	[spmem:s2] =	stream.indirect.scatter.add.f32 [tilespmem:s22], [sflag:$0x6], $0x80, s14, s20, $0xb8;
	[tilespmem:$0x1F400] =	vst v63  }
0x195: {  	_ =	swait.ge [sflag:s18], $0x2000  }
0x196: {  	[sflag:s18] =	ssyncset.done $0x0  }
0x197: {  	[sflag:s18] =	ssyncadd.s32 $0xFFFFE000  }
0x198: {  	[tilespmem:s21], [sflag:$0x2] =	stream.indirect.gather [hbm4b:s4+s20], $0x80, s31, s20, $0xb8;
	[tilespmem:$0x1F400] =	vst v63  }
0x199: {  	_ =	swait.ge [sflag:s29], $0x2000  }
0x19a: {  	[sflag:s29] =	ssyncset.done $0x0  }
0x19b: {  	[sflag:s29] =	ssyncadd.s32 $0xFFFFE000  }
0x19c: {  	[spmem:s2] =	stream.indirect.scatter.add.f32 [tilespmem:s23], [sflag:$0x6], $0x80, s1, s20, $0xb8;
	[tilespmem:$0x1F400] =	vst v63  }
0x19d: {  	_ =	swait.ge [sflag:s18], $0x2000  }
0x19e: {  	[sflag:s18] =	ssyncset.done $0x0  }
0x19f: {  	[sflag:s18] =	ssyncadd.s32 $0xFFFFE000  }
0x1a0: {  	[tilespmem:s22], [sflag:$0x3] =	stream.indirect.gather [hbm4b:s4+s20], $0x80, s0, s20, $0xb8;
	[tilespmem:$0x1F400] =	vst v63  }
0x1a1: {  	_ =	swait.ge [sflag:s30], $0x2000  }
0x1a2: {  	[sflag:s30] =	ssyncset.done $0x0  }
0x1a3: {  	[sflag:s30] =	ssyncadd.s32 $0xFFFFE000  }
0x1a4: {  	[spmem:s2] =	stream.indirect.scatter.add.f32 [tilespmem:s25], [sflag:$0x6], $0x80, s6, s20, $0xb8;
	[tilespmem:$0x1F400] =	vst v63  }
0x1a5: {  	_ =	swait.ge [sflag:s18], $0x2000  }
0x1a6: {  	[sflag:s18] =	ssyncset.done $0x0  }
0x1a7: {  	[sflag:s18] =	ssyncadd.s32 $0xFFFFE000  }
0x1a8: {  	[tilespmem:s23], [sflag:$0x4] =	stream.indirect.gather [hbm4b:s4+s20], $0x80, s7, s20, $0xb8;
	[tilespmem:$0x1F400] =	vst v63  }
0x1a9: {  	_ =	swait.ge [sflag:s24], $0x2000  }
0x1aa: {  	[sflag:s24] =	ssyncset.done $0x0  }
0x1ab: {  	[sflag:s24] =	ssyncadd.s32 $0xFFFFE000  }
0x1ac: {  	[spmem:s2] =	stream.indirect.scatter.add.f32 [tilespmem:s17], [sflag:$0x6], $0x80, s8, s20, $0xb8;
	[tilespmem:$0x1F400] =	vst v63  }
0x1ad: {  	_ =	swait.ge [sflag:s18], $0x2000  }
0x1ae: {  	[sflag:s18] =	ssyncset.done $0x0  }
0x1af: {  	[sflag:s18] =	ssyncadd.s32 $0xFFFFE000  }
0x1b0: {  	[tilespmem:s25], [sflag:$0x5] =	stream.indirect.gather [hbm4b:s4+s20], $0x80, s9, s20, $0xb8;
	[tilespmem:$0x1F400] =	vst v63  }
0x1b1: {  	_ =	swait.ge [sflag:s26], $0x2000  }
0x1b2: {  	[sflag:s26] =	ssyncset.done $0x0  }
0x1b3: {  	[sflag:s26] =	ssyncadd.s32 $0xFFFFE000  }
0x1b4: {  	[spmem:s2] =	stream.indirect.scatter.add.f32 [tilespmem:s21], [sflag:$0x6], $0x80, s10, s20, $0xb8;
	[tilespmem:$0x1F400] =	vst v63  }
0x1b5: {  	_ =	swait.ge [sflag:s18], $0x2000  }
0x1b6: {  	[sflag:s18] =	ssyncset.done $0x0  }
0x1b7: {  	[sflag:s18] =	ssyncadd.s32 $0xFFFFE000  }
0x1b8: {  	_ =	swait.ge [sflag:s28], $0x2000  }
0x1b9: {  	[sflag:s28] =	ssyncset.done $0x0  }
0x1ba: {  	[sflag:s28] =	ssyncadd.s32 $0xFFFFE000  }
0x1bb: {  	[spmem:s2] =	stream.indirect.scatter.add.f32 [tilespmem:s22], [sflag:$0x6], $0x80, s11, s20, $0xb8;
	[tilespmem:$0x1F400] =	vst v63  }
0x1bc: {  	_ =	swait.ge [sflag:s18], $0x2000  }
0x1bd: {  	[sflag:s18] =	ssyncset.done $0x0  }
0x1be: {  	[sflag:s18] =	ssyncadd.s32 $0xFFFFE000  }
0x1bf: {  	_ =	swait.ge [sflag:s29], $0x2000  }
0x1c0: {  	[sflag:s29] =	ssyncset.done $0x0  }
0x1c1: {  	[sflag:s29] =	ssyncadd.s32 $0xFFFFE000  }
0x1c2: {  	[spmem:s2] =	stream.indirect.scatter.add.f32 [tilespmem:s23], [sflag:$0x6], $0x80, s12, s20, $0xb8;
	[tilespmem:$0x1F400] =	vst v63  }
0x1c3: {  	_ =	swait.ge [sflag:s18], $0x2000  }
0x1c4: {  	[sflag:s18] =	ssyncset.done $0x0  }
0x1c5: {  	[sflag:s18] =	ssyncadd.s32 $0xFFFFE000  }
0x1c6: {  	p0 =	sne.s32 s16, $0x1680;
	_ =	swait.ge [sflag:s30], $0x2000  }
.Ltmp1:
0x1c7: {  	[sflag:s30] =	ssyncset.done $0x0;
	(pc) =	sbr.rel @p0 .LBB2_4-.Ltmp1, $4  }
0x1c8: {  	[sflag:s30] =	ssyncadd.s32 $0xFFFFE000  }
0x1c9: {  	[spmem:s2] =	stream.indirect.scatter.add.f32 [tilespmem:s25], [sflag:$0x6], $0x80, s13, s20, $0xb8;
	[tilespmem:$0x1F400] =	vst v63  }
0x1ca: {  	_ =	swait.ge [sflag:s18], $0x2000  }
0x1cb: {  	s16 =	sadd.s32 $0x180, s16;
	s5 =	rddreg [dreg:$0x4];
	[sflag:s18] =	ssyncset.done $0x0  }
0x1cc: {  	[sflag:s18] =	ssyncadd.s32 $0xFFFFE000;
	s5 =	sadd.s32 s15, s5  }
0x1cd: {  	[tilespmem:s3], [sflag:$0x6] =	stream.linear.gather [hbm4b:s5+s3], $0xA00, $0x38;
	[tilespmem:$0x1F400] =	vst v63  }
0x1ce: {  	_ =	swait.ge [sflag:s18], $0xA00  }
0x1cf: {  	s14 =	rddreg [dreg:$0x5];
	[sflag:s18] =	ssyncset.done $0x0  }
0x1d0: {  	[sflag:s18] =	ssyncadd.s32 $0xFFFFF600;
	s5 =	sadd.s32 s15, s14  }
0x1d1: {  	[tilespmem:s19], [sflag:$0x6] =	stream.linear.gather [hbm4b:s5+s3], $0xA00, $0x38;
	[tilespmem:$0x1F400] =	vst v63  }
0x1d2: {  	_ =	swait.ge [sflag:s18], $0xA00  }
0x1d3: {  	[sflag:s18] =	ssyncset.done $0x0  }
0x1d4: {  	[sflag:s18] =	ssyncadd.s32 $0xFFFFF600  }
0x1d5: {  	[tilespmem:s17], [sflag:$0x1] =	stream.indirect.gather [hbm4b:s4+s20], $0x80, s3, s20, $0xb8;
	[tilespmem:$0x1F400] =	vst v63  }
0x1d6: {  	s15 =	rddreg [dreg:$0x6]  }
0x1d7: {  	[tilespmem:s21], [sflag:$0x2] =	stream.indirect.gather [hbm4b:s4+s20], $0x80, s15, s20, $0xb8;
	[tilespmem:$0x1F400] =	vst v63  }
0x1d8: {  	s14 =	rddreg [dreg:$0x7]  }
0x1d9: {  	[tilespmem:s22], [sflag:$0x3] =	stream.indirect.gather [hbm4b:s4+s20], $0x80, s14, s20, $0xb8;
	[tilespmem:$0x1F400] =	vst v63  }
0x1da: {  	s16 =	rddreg [dreg:$0x8]  }
0x1db: {  	[tilespmem:s23], [sflag:$0x4] =	stream.indirect.gather [hbm4b:s4+s20], $0x80, s16, s20, $0xb8;
	[tilespmem:$0x1F400] =	vst v63  }
0x1dc: {  	_ =	swait.ge [sflag:s24], $0x2000  }
0x1dd: {  	[sflag:s24] =	ssyncset.done $0x0  }
0x1de: {  	[sflag:s24] =	ssyncadd.s32 $0xFFFFE000  }
0x1df: {  	[spmem:s2] =	stream.indirect.scatter.add.f32 [tilespmem:s17], [sflag:$0x6], $0x80, s19, s20, $0xb8;
	[tilespmem:$0x1F400] =	vst v63  }
0x1e0: {  	_ =	swait.ge [sflag:s18], $0x2000  }
0x1e1: {  	[sflag:s18] =	ssyncset.done $0x0  }
0x1e2: {  	s14 =	rddreg [dreg:$0x9];
	[sflag:s18] =	ssyncadd.s32 $0xFFFFE000  }
0x1e3: {  	[tilespmem:s25], [sflag:$0x5] =	stream.indirect.gather [hbm4b:s4+s20], $0x80, s14, s20, $0xb8;
	[tilespmem:$0x1F400] =	vst v63  }
0x1e4: {  	_ =	swait.ge [sflag:s26], $0x2000  }
0x1e5: {  	[sflag:s26] =	ssyncset.done $0x0  }
0x1e6: {  	s15 =	rddreg [dreg:$0xa];
	[sflag:s26] =	ssyncadd.s32 $0xFFFFE000  }
0x1e7: {  	[spmem:s2] =	stream.indirect.scatter.add.f32 [tilespmem:s21], [sflag:$0x6], $0x80, s15, s20, $0xb8;
	[tilespmem:$0x1F400] =	vst v63  }
0x1e8: {  	_ =	swait.ge [sflag:s18], $0x2000  }
0x1e9: {  	[sflag:s18] =	ssyncset.done $0x0  }
0x1ea: {  	s16 =	rddreg [dreg:$0xb];
	[sflag:s18] =	ssyncadd.s32 $0xFFFFE000  }
0x1eb: {  	[tilespmem:s17], [sflag:$0x1] =	stream.indirect.gather [hbm4b:s4+s20], $0x80, s16, s20, $0xb8;
	[tilespmem:$0x1F400] =	vst v63  }
0x1ec: {  	_ =	swait.ge [sflag:s28], $0x2000  }
0x1ed: {  	[sflag:s28] =	ssyncset.done $0x0  }
0x1ee: {  	s14 =	rddreg [dreg:$0xc];
	[sflag:s28] =	ssyncadd.s32 $0xFFFFE000  }
0x1ef: {  	[spmem:s2] =	stream.indirect.scatter.add.f32 [tilespmem:s22], [sflag:$0x6], $0x80, s14, s20, $0xb8;
	[tilespmem:$0x1F400] =	vst v63  }
0x1f0: {  	_ =	swait.ge [sflag:s18], $0x2000  }
0x1f1: {  	[sflag:s18] =	ssyncset.done $0x0  }
0x1f2: {  	s15 =	rddreg [dreg:$0xd];
	[sflag:s18] =	ssyncadd.s32 $0xFFFFE000  }
0x1f3: {  	[tilespmem:s21], [sflag:$0x2] =	stream.indirect.gather [hbm4b:s4+s20], $0x80, s15, s20, $0xb8;
	[tilespmem:$0x1F400] =	vst v63  }
0x1f4: {  	_ =	swait.ge [sflag:s29], $0x2000  }
0x1f5: {  	[sflag:s29] =	ssyncset.done $0x0  }
0x1f6: {  	s16 =	rddreg [dreg:$0xe];
	[sflag:s29] =	ssyncadd.s32 $0xFFFFE000  }
0x1f7: {  	[spmem:s2] =	stream.indirect.scatter.add.f32 [tilespmem:s23], [sflag:$0x6], $0x80, s16, s20, $0xb8;
	[tilespmem:$0x1F400] =	vst v63  }
0x1f8: {  	_ =	swait.ge [sflag:s18], $0x2000  }
0x1f9: {  	[sflag:s18] =	ssyncset.done $0x0  }
0x1fa: {  	s14 =	rddreg [dreg:$0xf];
	[sflag:s18] =	ssyncadd.s32 $0xFFFFE000  }
0x1fb: {  	[tilespmem:s22], [sflag:$0x3] =	stream.indirect.gather [hbm4b:s4+s20], $0x80, s14, s20, $0xb8;
	[tilespmem:$0x1F400] =	vst v63  }
0x1fc: {  	_ =	swait.ge [sflag:s30], $0x2000  }
0x1fd: {  	[sflag:s30] =	ssyncset.done $0x0  }
0x1fe: {  	s15 =	rddreg [dreg:$0x10];
	[sflag:s30] =	ssyncadd.s32 $0xFFFFE000  }
0x1ff: {  	[spmem:s2] =	stream.indirect.scatter.add.f32 [tilespmem:s25], [sflag:$0x6], $0x80, s15, s20, $0xb8;
	[tilespmem:$0x1F400] =	vst v63  }
0x200: {  	_ =	swait.ge [sflag:s18], $0x2000  }
0x201: {  	[sflag:s18] =	ssyncset.done $0x0  }
0x202: {  	s16 =	rddreg [dreg:$0x11];
	[sflag:s18] =	ssyncadd.s32 $0xFFFFE000  }
0x203: {  	[tilespmem:s23], [sflag:$0x4] =	stream.indirect.gather [hbm4b:s4+s20], $0x80, s16, s20, $0xb8;
	[tilespmem:$0x1F400] =	vst v63  }
0x204: {  	_ =	swait.ge [sflag:s24], $0x2000  }
0x205: {  	[sflag:s24] =	ssyncset.done $0x0  }
0x206: {  	s14 =	rddreg [dreg:$0x12];
	[sflag:s24] =	ssyncadd.s32 $0xFFFFE000  }
0x207: {  	[spmem:s2] =	stream.indirect.scatter.add.f32 [tilespmem:s17], [sflag:$0x6], $0x80, s14, s20, $0xb8;
	[tilespmem:$0x1F400] =	vst v63  }
0x208: {  	_ =	swait.ge [sflag:s18], $0x2000  }
0x209: {  	[sflag:s18] =	ssyncset.done $0x0  }
0x20a: {  	s15 =	rddreg [dreg:$0x13];
	[sflag:s18] =	ssyncadd.s32 $0xFFFFE000  }
0x20b: {  	[tilespmem:s25], [sflag:$0x5] =	stream.indirect.gather [hbm4b:s4+s20], $0x80, s15, s20, $0xb8;
	[tilespmem:$0x1F400] =	vst v63  }
0x20c: {  	_ =	swait.ge [sflag:s26], $0x2000  }
0x20d: {  	[sflag:s26] =	ssyncset.done $0x0  }
0x20e: {  	s16 =	rddreg [dreg:$0x14];
	[sflag:s26] =	ssyncadd.s32 $0xFFFFE000  }
0x20f: {  	[spmem:s2] =	stream.indirect.scatter.add.f32 [tilespmem:s21], [sflag:$0x6], $0x80, s16, s20, $0xb8;
	[tilespmem:$0x1F400] =	vst v63  }
0x210: {  	_ =	swait.ge [sflag:s18], $0x2000  }
0x211: {  	[sflag:s18] =	ssyncset.done $0x0  }
0x212: {  	s14 =	rddreg [dreg:$0x15];
	[sflag:s18] =	ssyncadd.s32 $0xFFFFE000  }
0x213: {  	[tilespmem:s17], [sflag:$0x1] =	stream.indirect.gather [hbm4b:s4+s20], $0x80, s14, s20, $0xb8;
	[tilespmem:$0x1F400] =	vst v63  }
0x214: {  	_ =	swait.ge [sflag:s28], $0x2000  }
0x215: {  	[sflag:s28] =	ssyncset.done $0x0  }
0x216: {  	s15 =	rddreg [dreg:$0x16];
	[sflag:s28] =	ssyncadd.s32 $0xFFFFE000  }
0x217: {  	[spmem:s2] =	stream.indirect.scatter.add.f32 [tilespmem:s22], [sflag:$0x6], $0x80, s15, s20, $0xb8;
	[tilespmem:$0x1F400] =	vst v63  }
0x218: {  	_ =	swait.ge [sflag:s18], $0x2000  }
0x219: {  	[sflag:s18] =	ssyncset.done $0x0  }
0x21a: {  	s16 =	rddreg [dreg:$0x17];
	[sflag:s18] =	ssyncadd.s32 $0xFFFFE000  }
0x21b: {  	[tilespmem:s21], [sflag:$0x2] =	stream.indirect.gather [hbm4b:s4+s20], $0x80, s16, s20, $0xb8;
	[tilespmem:$0x1F400] =	vst v63  }
0x21c: {  	_ =	swait.ge [sflag:s29], $0x2000  }
0x21d: {  	[sflag:s29] =	ssyncset.done $0x0  }
0x21e: {  	s14 =	rddreg [dreg:$0x18];
	[sflag:s29] =	ssyncadd.s32 $0xFFFFE000  }
0x21f: {  	[spmem:s2] =	stream.indirect.scatter.add.f32 [tilespmem:s23], [sflag:$0x6], $0x80, s14, s20, $0xb8;
	[tilespmem:$0x1F400] =	vst v63  }
0x220: {  	_ =	swait.ge [sflag:s18], $0x2000  }
0x221: {  	[sflag:s18] =	ssyncset.done $0x0  }
0x222: {  	s15 =	rddreg [dreg:$0x19];
	[sflag:s18] =	ssyncadd.s32 $0xFFFFE000  }
0x223: {  	[tilespmem:s22], [sflag:$0x3] =	stream.indirect.gather [hbm4b:s4+s20], $0x80, s15, s20, $0xb8;
	[tilespmem:$0x1F400] =	vst v63  }
0x224: {  	_ =	swait.ge [sflag:s30], $0x2000  }
0x225: {  	[sflag:s30] =	ssyncset.done $0x0  }
0x226: {  	s16 =	rddreg [dreg:$0x1a];
	[sflag:s30] =	ssyncadd.s32 $0xFFFFE000  }
0x227: {  	[spmem:s2] =	stream.indirect.scatter.add.f32 [tilespmem:s25], [sflag:$0x6], $0x80, s16, s20, $0xb8;
	[tilespmem:$0x1F400] =	vst v63  }
0x228: {  	_ =	swait.ge [sflag:s18], $0x2000  }
0x229: {  	[sflag:s18] =	ssyncset.done $0x0  }
0x22a: {  	s14 =	rddreg [dreg:$0x1b];
	[sflag:s18] =	ssyncadd.s32 $0xFFFFE000  }
0x22b: {  	[tilespmem:s23], [sflag:$0x4] =	stream.indirect.gather [hbm4b:s4+s20], $0x80, s14, s20, $0xb8;
	[tilespmem:$0x1F400] =	vst v63  }
0x22c: {  	_ =	swait.ge [sflag:s24], $0x2000  }
0x22d: {  	[sflag:s24] =	ssyncset.done $0x0  }
0x22e: {  	s15 =	rddreg [dreg:$0x1c];
	[sflag:s24] =	ssyncadd.s32 $0xFFFFE000  }
0x22f: {  	[spmem:s2] =	stream.indirect.scatter.add.f32 [tilespmem:s17], [sflag:$0x6], $0x80, s15, s20, $0xb8;
	[tilespmem:$0x1F400] =	vst v63  }
0x230: {  	_ =	swait.ge [sflag:s18], $0x2000  }
0x231: {  	[sflag:s18] =	ssyncset.done $0x0  }
0x232: {  	s16 =	rddreg [dreg:$0x1d];
	[sflag:s18] =	ssyncadd.s32 $0xFFFFE000  }
0x233: {  	[tilespmem:s25], [sflag:$0x5] =	stream.indirect.gather [hbm4b:s4+s20], $0x80, s16, s20, $0xb8;
	[tilespmem:$0x1F400] =	vst v63  }
0x234: {  	_ =	swait.ge [sflag:s26], $0x2000  }
0x235: {  	[sflag:s26] =	ssyncset.done $0x0  }
0x236: {  	s14 =	rddreg [dreg:$0x1e];
	[sflag:s26] =	ssyncadd.s32 $0xFFFFE000  }
0x237: {  	[spmem:s2] =	stream.indirect.scatter.add.f32 [tilespmem:s21], [sflag:$0x6], $0x80, s14, s20, $0xb8;
	[tilespmem:$0x1F400] =	vst v63  }
0x238: {  	_ =	swait.ge [sflag:s18], $0x2000  }
0x239: {  	[sflag:s18] =	ssyncset.done $0x0  }
0x23a: {  	s15 =	rddreg [dreg:$0x1f];
	[sflag:s18] =	ssyncadd.s32 $0xFFFFE000  }
0x23b: {  	[tilespmem:s17], [sflag:$0x1] =	stream.indirect.gather [hbm4b:s4+s20], $0x80, s15, s20, $0xb8;
	[tilespmem:$0x1F400] =	vst v63  }
0x23c: {  	_ =	swait.ge [sflag:s28], $0x2000  }
0x23d: {  	s16 =	sld [smem:$0x7FD]  }
0x23e: {  	[sflag:s28] =	ssyncset.done $0x0  }
0x23f: {  	[sflag:s28] =	ssyncadd.s32 $0xFFFFE000  }
0x240: {  	[spmem:s2] =	stream.indirect.scatter.add.f32 [tilespmem:s22], [sflag:$0x6], $0x80, s16, s20, $0xb8;
	[tilespmem:$0x1F400] =	vst v63  }
0x241: {  	_ =	swait.ge [sflag:s18], $0x2000  }
0x242: {  	[sflag:s18] =	ssyncset.done $0x0  }
0x243: {  	[sflag:s18] =	ssyncadd.s32 $0xFFFFE000  }
0x244: {  	[tilespmem:s21], [sflag:$0x2] =	stream.indirect.gather [hbm4b:s4+s20], $0x80, s31, s20, $0xb8;
	[tilespmem:$0x1F400] =	vst v63  }
0x245: {  	_ =	swait.ge [sflag:s29], $0x2000  }
0x246: {  	[sflag:s29] =	ssyncset.done $0x0  }
0x247: {  	[sflag:s29] =	ssyncadd.s32 $0xFFFFE000  }
0x248: {  	[spmem:s2] =	stream.indirect.scatter.add.f32 [tilespmem:s23], [sflag:$0x6], $0x80, s1, s20, $0xb8;
	[tilespmem:$0x1F400] =	vst v63  }
0x249: {  	_ =	swait.ge [sflag:s18], $0x2000  }
0x24a: {  	[sflag:s18] =	ssyncset.done $0x0  }
0x24b: {  	[sflag:s18] =	ssyncadd.s32 $0xFFFFE000  }
0x24c: {  	[tilespmem:s22], [sflag:$0x3] =	stream.indirect.gather [hbm4b:s4+s20], $0x80, s0, s20, $0xb8;
	[tilespmem:$0x1F400] =	vst v63  }
0x24d: {  	_ =	swait.ge [sflag:s30], $0x2000  }
0x24e: {  	[sflag:s30] =	ssyncset.done $0x0  }
0x24f: {  	[sflag:s30] =	ssyncadd.s32 $0xFFFFE000  }
0x250: {  	[spmem:s2] =	stream.indirect.scatter.add.f32 [tilespmem:s25], [sflag:$0x6], $0x80, s6, s20, $0xb8;
	[tilespmem:$0x1F400] =	vst v63  }
0x251: {  	_ =	swait.ge [sflag:s18], $0x2000  }
0x252: {  	[sflag:s18] =	ssyncset.done $0x0  }
0x253: {  	[sflag:s18] =	ssyncadd.s32 $0xFFFFE000  }
0x254: {  	[tilespmem:s23], [sflag:$0x4] =	stream.indirect.gather [hbm4b:s4+s20], $0x80, s7, s20, $0xb8;
	[tilespmem:$0x1F400] =	vst v63  }
0x255: {  	_ =	swait.ge [sflag:s24], $0x2000  }
0x256: {  	[sflag:s24] =	ssyncset.done $0x0  }
0x257: {  	[sflag:s24] =	ssyncadd.s32 $0xFFFFE000  }
0x258: {  	[spmem:s2] =	stream.indirect.scatter.add.f32 [tilespmem:s17], [sflag:$0x6], $0x80, s8, s20, $0xb8;
	[tilespmem:$0x1F400] =	vst v63  }
0x259: {  	_ =	swait.ge [sflag:s18], $0x2000  }
0x25a: {  	[sflag:s18] =	ssyncset.done $0x0  }
0x25b: {  	[sflag:s18] =	ssyncadd.s32 $0xFFFFE000  }
0x25c: {  	[tilespmem:s25], [sflag:$0x5] =	stream.indirect.gather [hbm4b:s4+s20], $0x80, s9, s20, $0xb8;
	[tilespmem:$0x1F400] =	vst v63  }
0x25d: {  	_ =	swait.ge [sflag:s26], $0x2000  }
0x25e: {  	[sflag:s26] =	ssyncset.done $0x0  }
0x25f: {  	[sflag:s26] =	ssyncadd.s32 $0xFFFFE000  }
0x260: {  	[spmem:s2] =	stream.indirect.scatter.add.f32 [tilespmem:s21], [sflag:$0x6], $0x80, s10, s20, $0xb8;
	[tilespmem:$0x1F400] =	vst v63  }
0x261: {  	_ =	swait.ge [sflag:s18], $0x2000  }
0x262: {  	[sflag:s18] =	ssyncset.done $0x0  }
0x263: {  	[sflag:s18] =	ssyncadd.s32 $0xFFFFE000  }
0x264: {  	_ =	swait.ge [sflag:s28], $0x2000  }
0x265: {  	[sflag:s28] =	ssyncset.done $0x0  }
0x266: {  	[sflag:s28] =	ssyncadd.s32 $0xFFFFE000  }
0x267: {  	[spmem:s2] =	stream.indirect.scatter.add.f32 [tilespmem:s22], [sflag:$0x6], $0x80, s11, s20, $0xb8;
	[tilespmem:$0x1F400] =	vst v63  }
0x268: {  	_ =	swait.ge [sflag:s18], $0x2000  }
0x269: {  	[sflag:s18] =	ssyncset.done $0x0  }
0x26a: {  	[sflag:s18] =	ssyncadd.s32 $0xFFFFE000  }
0x26b: {  	_ =	swait.ge [sflag:s29], $0x2000  }
0x26c: {  	[sflag:s29] =	ssyncset.done $0x0  }
0x26d: {  	[sflag:s29] =	ssyncadd.s32 $0xFFFFE000  }
0x26e: {  	[spmem:s2] =	stream.indirect.scatter.add.f32 [tilespmem:s23], [sflag:$0x6], $0x80, s12, s20, $0xb8;
	[tilespmem:$0x1F400] =	vst v63  }
0x26f: {  	_ =	swait.ge [sflag:s18], $0x2000  }
0x270: {  	[sflag:s18] =	ssyncset.done $0x0  }
0x271: {  	[sflag:s18] =	ssyncadd.s32 $0xFFFFE000  }
0x272: {  	_ =	swait.ge [sflag:s30], $0x2000  }
0x273: {  	[sflag:s30] =	ssyncset.done $0x0  }
0x274: {  	[sflag:s30] =	ssyncadd.s32 $0xFFFFE000  }
0x275: {  	[spmem:s2] =	stream.indirect.scatter.add.f32 [tilespmem:s25], [sflag:$0x6], $0x80, s13, s20, $0xb8;
	[tilespmem:$0x1F400] =	vst v63  }
0x276: {  	_ =	swait.ge [sflag:s18], $0x2000  }
0x277: {  	[sflag:s18] =	ssyncset.done $0x0  }
0x278: {  	[sflag:s18] =	ssyncadd.s32 $0xFFFFE000  }
0x279: {  	[bflag:$0x0] =	sbarrier.arrive $0xFFFF  }
0x27a: {  	s15 =	sld [smem:$0x7F9]  }
0x27b: {  	s14 =	stileid.u32;
	s16 =	sld [smem:$0x7FB]  }
0x27c: {  	s5 =	sshll.u32 s14, $0x6  }
0x27d: {  	s5 =	sor.u32 $0x1C06, s5;
	s14 =	sshrl.u32 s15, $0x3  }
0x27e: {  	[hbm:s16], [sflag:s5] =	dma.local [spmem:s14], $0x2780  }
0x27f: {  	_ =	swait.ge [sflag:s18], $0x2780  }
0x280: {  	s15 =	sld [smem:$0x7F0]  }
0x281: {  	s16 =	sld [smem:$0x7FC];
	_ =	sdelay $0x1  }
0x282: {  	s14 =	sadd.s32 $0x1, s15  }
0x283: {  	p0 =	sne.s32 s14, s16  }
.Ltmp2:
0x284: {  	_ = 	snop;
	(pc) =	sbr.rel @p0 .LBB2_1-.Ltmp2, $3  }
0x285: {  	_ =	sdelay $0x1  }
0x286: {  	[sflag:s18] =	ssyncset.done $0x0  }
0x287: {  	[sflag:s18] =	ssyncadd.s32 $0xFFFFD880  }
0x288: {  	_ =	sfence.sel $0x180000  }
0x289: {  	[bflag:$0x0] =	sbarrier.arrive $0xFFFF  }
0x28a: {  	_ =	strace $0x90000047  }
0x28b: {  	s0 =	stileid.u32;
	[bflag:$0x2] =	sbarrier.arrive $0xFFFF  }
0x28c: {  	p0 =	sne.s32 s0, $0x0;
	s0 =	rddreg [dreg:$0x3]  }
0x28d: {  	s0 =	sadd.s32 @!p0 $0x100000, s0  }
0x28e: {  	[sflag:s0] =	ssyncadd.tile.s32 @!p0 $0x1;
	_ =	shalt  }
.Lfunc_end2:
_tile_overlayer_lowered:
.L_overlay_start_2:
0x28f: {  	(tag) =	ssettag $0x2  }
0x290: {  	s0 =	rddreg [dreg:$0x0];
	s2 =	stileid.u32  }
0x291: {  	s1 =	rddreg [dreg:$0x1];
	p0 =	sne.s32 s2, $0x0  }
0x292: {  	s3 =	rddreg [dreg:$0x2];
	[bflag:$0x3] =	sbarrier.arrive $0xFFFF;
	s2 =	simm.s32 @!p0 $0x1C06  }
0x293: {  	[timem:s3], [sflag:s2] =	dma.local @!p0 [hbm:s0], s1  }
0x294: {  	s0 =	simm.s32 @!p0 $0x6  }
0x295: {  	_ =	swait.ge @!p0 [sflag:s0], s1  }
0x296: {  	s1 =	ssub.s32 @!p0 $0x0, s1;
	[sflag:s0] =	ssyncset.done @!p0 $0x0  }
0x297: {  	[sflag:s0] =	ssyncadd.s32 @!p0 s1  }
0x298: {  	[bflag:$0x3] =	sbarrier.arrive $0xFFFF  }
0x299: {  	_ =	shalt  }

</sc_bundles>
